<compile_context>
chip_gen: v7x
topology: tpu7x:2x2x1
jax: 0.10.2.dev20260603
libtpu: 0.0.44.dev20260713+nightly
codegen_flags: <defaults>
</compile_context>

<pallas_src>
import functools

import numpy as np
import jax
import jax.numpy as jnp
from jax import lax
from jax.experimental import pallas as pl
from jax.experimental.pallas import tpu as pltpu
from jax.experimental.pallas import tpu_sc as plsc

VOCAB = 1000000
B = 16384
D = 64
NG = 5
ROWS = 2 + NG
NC = 2
NS = 16
NW = NC * NS
NPW = B // NW
M = 128
NCH = NPW * ROWS // M


def _dst_table() -> np.ndarray:
    dst = np.empty((NW, NCH, M), dtype=np.int32)
    for w in range(NW):
        base = w * NPW
        k = np.arange(NPW)
        a = (base + k) * ROWS
        b = a + 1
        kk = np.arange(NPW * NG)
        c = (base + kk // NG) * ROWS + 2 + kk % NG
        dst[w] = np.concatenate([a, b, c]).reshape(NCH, M)
    return dst


_DST_NP = _dst_table()


def _skipgram_gather(center, context, ng_words, dst_h, in_table, out_table):
    mesh = plsc.VectorSubcoreMesh(core_axis_name="c", subcore_axis_name="s")

    @functools.partial(
        pl.kernel,
        out_type=jax.ShapeDtypeStruct((B * ROWS, D), jnp.float32),
        mesh=mesh,
        scratch_types=[
            pltpu.VMEM((NPW * ROWS,), jnp.int32),
            pltpu.VMEM((NCH, M), jnp.int32),
            pltpu.VMEM((M, D), jnp.float32),
            pltpu.VMEM((M, D), jnp.float32),
            pltpu.SemaphoreType.DMA,
            pltpu.SemaphoreType.DMA,
        ],
        compiler_params=pltpu.CompilerParams(use_tc_tiling_on_sc=False),
    )
    def k(center_h, context_h, ng_h, dst_hbm, in_t, out_t, out_h,
          src_idx, dst_l, rows0, rows1, gsem, ssem):
        wid = lax.axis_index("s") * NC + lax.axis_index("c")
        base = wid * NPW

        pltpu.sync_copy(center_h.at[pl.ds(base, NPW)], src_idx.at[pl.ds(0, NPW)])
        pltpu.sync_copy(context_h.at[pl.ds(base, NPW)], src_idx.at[pl.ds(NPW, NPW)])
        pltpu.sync_copy(ng_h.at[pl.ds(base * NG, NPW * NG)],
                        src_idx.at[pl.ds(2 * NPW, NPW * NG)])
        pltpu.sync_copy(dst_hbm.at[wid], dst_l)

        def run_phase(table, c0, nchunks):
            def gather(c, buf):
                src = table.at[src_idx.at[pl.ds((c0 + c) * M, M)]]
                return pltpu.make_async_copy(src, buf, gsem)

            def scatter(c, buf):
                return pltpu.make_async_copy(buf, out_h.at[dst_l.at[c0 + c]], ssem)

            half = nchunks // 2
            gather(0, rows0).start()

            def body(i, carry):
                a = 2 * i

                gather(a, rows0).wait()
                scatter(a, rows0).start()

                @pl.when(i > 0)
                def _():
                    scatter(a - 1, rows1).wait()

                gather(a + 1, rows1).start()
                gather(a + 1, rows1).wait()
                scatter(a + 1, rows1).start()
                scatter(a, rows0).wait()

                @pl.when(i < half - 1)
                def _():
                    gather(a + 2, rows0).start()

                return carry

            lax.fori_loop(0, half, body, 0)
            scatter(nchunks - 1, rows1).wait()

        run_phase(in_t, 0, NPW // M)
        run_phase(out_t, NPW // M, NPW // M)
        run_phase(out_t, 2 * NPW // M, NPW * NG // M)

    return k(center, context, ng_words, dst_h, in_table, out_table)


@jax.jit
def kernel(center, context, in_table, out_table, ng_words):
    out = _skipgram_gather(center, context, ng_words, jnp.asarray(_DST_NP),
                           in_table, out_table)
    return out.reshape(B, ROWS, D)

# --- scband reference (transcript-rebuilt; emitter-appended) ---
"""Pipeline reference for scband-skip-gram-89464168776162 (READ-ONLY COPY).

The authoritative reference and input builder live on the scoring server;
editing this copy changes nothing except your own understanding.
"""

import jax, jax.numpy as jnp
import numpy as np

VOCAB = 1000000
EMBED_DIM = 64
NG_WORDS = 5
BATCH = 16384


def setup_inputs(seed: int = 0) -> dict:
    key = jax.random.key(seed)
    k1, k2, k3, k4, k5 = jax.random.split(key, 5)
    center = jax.random.randint(k1, (BATCH,), 0, VOCAB)
    context = jax.random.randint(k2, (BATCH,), 0, VOCAB)
    # torch.nn.init.uniform_(weight, -1, 1)
    in_table = jax.random.uniform(k3, (VOCAB, EMBED_DIM), minval=-1.0, maxval=1.0, dtype=jnp.float32)
    out_table = jax.random.uniform(k4, (VOCAB, EMBED_DIM), minval=-1.0, maxval=1.0, dtype=jnp.float32)
    # ng_dist is None -> torch.multinomial over a uniform distribution, which is
    # equivalent to uniform integer sampling over the vocab (with replacement).
    ng_words = jax.random.randint(k5, (BATCH * NG_WORDS,), 0, VOCAB)
    return {"center": center, "context": context, "in_table": in_table, "out_table": out_table, "ng_words": ng_words}


def reference(center, context, in_table, out_table, ng_words):
    # forward_in: single-int instances -> plain embedding lookup
    in_emb = jnp.take(in_table, center, axis=0)            # [B, D]
    # forward_out: out_embeddings(data)
    out_emb = jnp.take(out_table, context, axis=0)         # [B, D]
    # forward_neg: out_embeddings(ng_words).view(B, NG_WORDS, D)
    ng_emb = jnp.take(out_table, ng_words, axis=0).reshape(BATCH, NG_WORDS, EMBED_DIM)
    # pack the three outputs into one tensor [B, 2 + NG_WORDS, D]
    return jnp.concatenate([in_emb[:, None, :], out_emb[:, None, :], ng_emb], axis=1)

if __name__ == "__main__":
    import jax
    _d = setup_inputs()
    print(jax.jit(kernel)(*tuple(_d.values())))

</pallas_src>

<mosaic_0001>
#map = affine_map<(d0, d1) -> (0)>
#map1 = affine_map<(d0, d1) -> (0, 0, 0)>
#map2 = affine_map<(d0, d1) -> (0, 0)>
module attributes {stable_mosaic.version = 14 : i64} {
  func.func @k(%arg0: i32, %arg1: i32, %arg2: memref<16384xi32, #tpu.memory_space<hbm>>, %arg3: memref<16384xi32, #tpu.memory_space<hbm>>, %arg4: memref<81920xi32, #tpu.memory_space<hbm>>, %arg5: memref<32x28x128xi32, #tpu.memory_space<hbm>>, %arg6: memref<1000000x64xf32, #tpu.memory_space<hbm>>, %arg7: memref<1000000x64xf32, #tpu.memory_space<hbm>>, %arg8: memref<114688x64xf32, #tpu.memory_space<hbm>>, %arg9: memref<3584xi32, #tpu.memory_space<vmem>>, %arg10: memref<28x128xi32, #tpu.memory_space<vmem>>, %arg11: memref<128x64xf32, #tpu.memory_space<vmem>>, %arg12: memref<128x64xf32, #tpu.memory_space<vmem>>, %arg13: memref<!tpu.dma_semaphore, #tpu.memory_space<semaphore_mem>>, %arg14: memref<!tpu.dma_semaphore, #tpu.memory_space<semaphore_mem>>) attributes {dimension_semantics = [#tpu.dimension_semantics<core_parallel>, #tpu.dimension_semantics<subcore_parallel>], iteration_bounds = array<i64: 2, 16>, scalar_prefetch = 0 : i64, scratch_operands = 6 : i64, tpu.core_type = #tpu.core_type<sc_vector_subcore>, window_params = [{transform_indices = #map}, {transform_indices = #map}, {transform_indices = #map}, {transform_indices = #map1}, {transform_indices = #map2}, {transform_indices = #map2}, {transform_indices = #map2}]} {
    %mul3A = arith.constant 2 : i32
    %mul3A_0 = arith.muli %arg1, %mul3A : i32
    %add3A = arith.addi %mul3A_0, %arg0 : i32
    %mul3A_1 = arith.constant 512 : i32
    %mul3A_2 = arith.muli %add3A, %mul3A_1 : i32
    "tpu.region"() ({
      %run_scoped3A = tpu.sem_alloc : memref<!tpu.dma_semaphore, #tpu.memory_space<semaphore_mem>>
      %dma_start3A_56 = arith.constant 0 : i32
      %dma_start3A_57 = tpu.memref_slice %arg9[%dma_start3A_56] : memref<3584xi32, #tpu.memory_space<vmem>> -> memref<512xi32, #tpu.memory_space<vmem>>
      %dma_start3A_58 = tpu.memref_slice %arg2[%mul3A_2] : memref<16384xi32, #tpu.memory_space<hbm>> -> memref<512xi32, #tpu.memory_space<hbm>>
      %dma_start3A_59 = arith.constant 0 : i32
      %dma_start3A_60 = tpu.memref_slice %arg9[%dma_start3A_59] : memref<3584xi32, #tpu.memory_space<vmem>> -> memref<512xi32, #tpu.memory_space<vmem>>
      %dma_start3A_61 = tpu.memref_slice %arg2[%mul3A_2] : memref<16384xi32, #tpu.memory_space<hbm>> -> memref<512xi32, #tpu.memory_space<hbm>>
      tpu.enqueue_dma source(%dma_start3A_61 : memref<512xi32, #tpu.memory_space<hbm>>) target(%dma_start3A_60 : memref<512xi32, #tpu.memory_space<vmem>>) target_semaphore(%run_scoped3A : memref<!tpu.dma_semaphore, #tpu.memory_space<semaphore_mem>>)
      %dma_wait3A_62 = arith.constant 0 : i32
      %dma_wait3A_63 = tpu.memref_slice %arg9[%dma_wait3A_62] : memref<3584xi32, #tpu.memory_space<vmem>> -> memref<512xi32, #tpu.memory_space<vmem>>
      %dma_wait3A_64 = tpu.memref_slice %arg2[%mul3A_2] : memref<16384xi32, #tpu.memory_space<hbm>> -> memref<512xi32, #tpu.memory_space<hbm>>
      %dma_wait3A_65 = arith.constant 0 : i32
      %dma_wait3A_66 = tpu.memref_slice %arg9[%dma_wait3A_65] : memref<3584xi32, #tpu.memory_space<vmem>> -> memref<512xi32, #tpu.memory_space<vmem>>
      %dma_wait3A_67 = tpu.memref_slice %arg2[%mul3A_2] : memref<16384xi32, #tpu.memory_space<hbm>> -> memref<512xi32, #tpu.memory_space<hbm>>
      tpu.wait_dma2 semaphore(%run_scoped3A : memref<!tpu.dma_semaphore, #tpu.memory_space<semaphore_mem>>) src(%dma_wait3A_67 : memref<512xi32, #tpu.memory_space<hbm>>) dst(%dma_wait3A_66 : memref<512xi32, #tpu.memory_space<vmem>>)
      tpu.yield
    }) : () -> ()
    "tpu.region"() ({
      %run_scoped3A = tpu.sem_alloc : memref<!tpu.dma_semaphore, #tpu.memory_space<semaphore_mem>>
      %dma_start3A_56 = arith.constant 512 : i32
      %dma_start3A_57 = tpu.memref_slice %arg9[%dma_start3A_56] : memref<3584xi32, #tpu.memory_space<vmem>> -> memref<512xi32, #tpu.memory_space<vmem>>
      %dma_start3A_58 = tpu.memref_slice %arg3[%mul3A_2] : memref<16384xi32, #tpu.memory_space<hbm>> -> memref<512xi32, #tpu.memory_space<hbm>>
      %dma_start3A_59 = arith.constant 512 : i32
      %dma_start3A_60 = tpu.memref_slice %arg9[%dma_start3A_59] : memref<3584xi32, #tpu.memory_space<vmem>> -> memref<512xi32, #tpu.memory_space<vmem>>
      %dma_start3A_61 = tpu.memref_slice %arg3[%mul3A_2] : memref<16384xi32, #tpu.memory_space<hbm>> -> memref<512xi32, #tpu.memory_space<hbm>>
      tpu.enqueue_dma source(%dma_start3A_61 : memref<512xi32, #tpu.memory_space<hbm>>) target(%dma_start3A_60 : memref<512xi32, #tpu.memory_space<vmem>>) target_semaphore(%run_scoped3A : memref<!tpu.dma_semaphore, #tpu.memory_space<semaphore_mem>>)
      %dma_wait3A_62 = arith.constant 512 : i32
      %dma_wait3A_63 = tpu.memref_slice %arg9[%dma_wait3A_62] : memref<3584xi32, #tpu.memory_space<vmem>> -> memref<512xi32, #tpu.memory_space<vmem>>
      %dma_wait3A_64 = tpu.memref_slice %arg3[%mul3A_2] : memref<16384xi32, #tpu.memory_space<hbm>> -> memref<512xi32, #tpu.memory_space<hbm>>
      %dma_wait3A_65 = arith.constant 512 : i32
      %dma_wait3A_66 = tpu.memref_slice %arg9[%dma_wait3A_65] : memref<3584xi32, #tpu.memory_space<vmem>> -> memref<512xi32, #tpu.memory_space<vmem>>
      %dma_wait3A_67 = tpu.memref_slice %arg3[%mul3A_2] : memref<16384xi32, #tpu.memory_space<hbm>> -> memref<512xi32, #tpu.memory_space<hbm>>
      tpu.wait_dma2 semaphore(%run_scoped3A : memref<!tpu.dma_semaphore, #tpu.memory_space<semaphore_mem>>) src(%dma_wait3A_67 : memref<512xi32, #tpu.memory_space<hbm>>) dst(%dma_wait3A_66 : memref<512xi32, #tpu.memory_space<vmem>>)
      tpu.yield
    }) : () -> ()
    %mul3A_3 = arith.constant 5 : i32
    %mul3A_4 = arith.muli %mul3A_2, %mul3A_3 : i32
    "tpu.region"() ({
      %run_scoped3A = tpu.sem_alloc : memref<!tpu.dma_semaphore, #tpu.memory_space<semaphore_mem>>
      %dma_start3A_56 = arith.constant 1024 : i32
      %dma_start3A_57 = tpu.memref_slice %arg9[%dma_start3A_56] : memref<3584xi32, #tpu.memory_space<vmem>> -> memref<2560xi32, #tpu.memory_space<vmem>>
      %dma_start3A_58 = tpu.memref_slice %arg4[%mul3A_4] : memref<81920xi32, #tpu.memory_space<hbm>> -> memref<2560xi32, #tpu.memory_space<hbm>>
      %dma_start3A_59 = arith.constant 1024 : i32
      %dma_start3A_60 = tpu.memref_slice %arg9[%dma_start3A_59] : memref<3584xi32, #tpu.memory_space<vmem>> -> memref<2560xi32, #tpu.memory_space<vmem>>
      %dma_start3A_61 = tpu.memref_slice %arg4[%mul3A_4] : memref<81920xi32, #tpu.memory_space<hbm>> -> memref<2560xi32, #tpu.memory_space<hbm>>
      tpu.enqueue_dma source(%dma_start3A_61 : memref<2560xi32, #tpu.memory_space<hbm>>) target(%dma_start3A_60 : memref<2560xi32, #tpu.memory_space<vmem>>) target_semaphore(%run_scoped3A : memref<!tpu.dma_semaphore, #tpu.memory_space<semaphore_mem>>)
      %dma_wait3A_62 = arith.constant 1024 : i32
      %dma_wait3A_63 = tpu.memref_slice %arg9[%dma_wait3A_62] : memref<3584xi32, #tpu.memory_space<vmem>> -> memref<2560xi32, #tpu.memory_space<vmem>>
      %dma_wait3A_64 = tpu.memref_slice %arg4[%mul3A_4] : memref<81920xi32, #tpu.memory_space<hbm>> -> memref<2560xi32, #tpu.memory_space<hbm>>
      %dma_wait3A_65 = arith.constant 1024 : i32
      %dma_wait3A_66 = tpu.memref_slice %arg9[%dma_wait3A_65] : memref<3584xi32, #tpu.memory_space<vmem>> -> memref<2560xi32, #tpu.memory_space<vmem>>
      %dma_wait3A_67 = tpu.memref_slice %arg4[%mul3A_4] : memref<81920xi32, #tpu.memory_space<hbm>> -> memref<2560xi32, #tpu.memory_space<hbm>>
      tpu.wait_dma2 semaphore(%run_scoped3A : memref<!tpu.dma_semaphore, #tpu.memory_space<semaphore_mem>>) src(%dma_wait3A_67 : memref<2560xi32, #tpu.memory_space<hbm>>) dst(%dma_wait3A_66 : memref<2560xi32, #tpu.memory_space<vmem>>)
      tpu.yield
    }) : () -> ()
    "tpu.region"() ({
      %run_scoped3A = tpu.sem_alloc : memref<!tpu.dma_semaphore, #tpu.memory_space<semaphore_mem>>
      %dma_start3A_56 = arith.constant 0 : i32
      %dma_start3A_57 = arith.constant 0 : i32
      %dma_start3A_58 = tpu.memref_slice %arg5[%add3A, %dma_start3A_56, %dma_start3A_57] : memref<32x28x128xi32, #tpu.memory_space<hbm>> -> memref<1x28x128xi32, #tpu.memory_space<hbm>>
      %dma_start3A_59 = tpu.memref_squeeze %dma_start3A_58 : memref<1x28x128xi32, #tpu.memory_space<hbm>> -> memref<28x128xi32, #tpu.memory_space<hbm>>
      %dma_start3A_60 = arith.constant 0 : i32
      %dma_start3A_61 = arith.constant 0 : i32
      %dma_start3A_62 = tpu.memref_slice %arg5[%add3A, %dma_start3A_60, %dma_start3A_61] : memref<32x28x128xi32, #tpu.memory_space<hbm>> -> memref<1x28x128xi32, #tpu.memory_space<hbm>>
      %dma_start3A_63 = tpu.memref_squeeze %dma_start3A_62 : memref<1x28x128xi32, #tpu.memory_space<hbm>> -> memref<28x128xi32, #tpu.memory_space<hbm>>
      tpu.enqueue_dma source(%dma_start3A_63 : memref<28x128xi32, #tpu.memory_space<hbm>>) target(%arg10 : memref<28x128xi32, #tpu.memory_space<vmem>>) target_semaphore(%run_scoped3A : memref<!tpu.dma_semaphore, #tpu.memory_space<semaphore_mem>>)
      %dma_wait3A_64 = arith.constant 0 : i32
      %dma_wait3A_65 = arith.constant 0 : i32
      %dma_wait3A_66 = tpu.memref_slice %arg5[%add3A, %dma_wait3A_64, %dma_wait3A_65] : memref<32x28x128xi32, #tpu.memory_space<hbm>> -> memref<1x28x128xi32, #tpu.memory_space<hbm>>
      %dma_wait3A_67 = tpu.memref_squeeze %dma_wait3A_66 : memref<1x28x128xi32, #tpu.memory_space<hbm>> -> memref<28x128xi32, #tpu.memory_space<hbm>>
      %dma_wait3A_68 = arith.constant 0 : i32
      %dma_wait3A_69 = arith.constant 0 : i32
      %dma_wait3A_70 = tpu.memref_slice %arg5[%add3A, %dma_wait3A_68, %dma_wait3A_69] : memref<32x28x128xi32, #tpu.memory_space<hbm>> -> memref<1x28x128xi32, #tpu.memory_space<hbm>>
      %dma_wait3A_71 = tpu.memref_squeeze %dma_wait3A_70 : memref<1x28x128xi32, #tpu.memory_space<hbm>> -> memref<28x128xi32, #tpu.memory_space<hbm>>
      tpu.wait_dma2 semaphore(%run_scoped3A : memref<!tpu.dma_semaphore, #tpu.memory_space<semaphore_mem>>) src(%dma_wait3A_71 : memref<28x128xi32, #tpu.memory_space<hbm>>) dst(%arg10 : memref<28x128xi32, #tpu.memory_space<vmem>>)
      tpu.yield
    }) : () -> ()
    %dma_start3A = arith.constant 0 : i32
    %dma_start3A_5 = tpu.memref_slice %arg9[%dma_start3A] : memref<3584xi32, #tpu.memory_space<vmem>> -> memref<128xi32, #tpu.memory_space<vmem>>
    %dma_start3A_6 = arith.constant 0 : i32
    %dma_start3A_7 = arith.constant 0 : i32
    %dma_start3A_8 = tpu.memref_slice %arg6[%dma_start3A_6, %dma_start3A_7] : memref<1000000x64xf32, #tpu.memory_space<hbm>> -> memref<1000000x64xf32, #tpu.memory_space<hbm>>
    tpu.enqueue_indirect_dma source(%dma_start3A_8 : memref<1000000x64xf32, #tpu.memory_space<hbm>>) target(%arg11 : memref<128x64xf32, #tpu.memory_space<vmem>>) offsets(%dma_start3A_5 : memref<128xi32, #tpu.memory_space<vmem>>) semaphore(%arg13 : memref<!tpu.dma_semaphore, #tpu.memory_space<semaphore_mem>>)
    %scan3A = arith.constant 0 : i32
    %scan3A_9 = arith.constant 0 : i32
    %scan3A_10 = arith.constant 2 : i32
    %scan3A_11 = arith.addi %scan3A_9, %scan3A_10 : i32
    %scan3A_12 = arith.constant 1 : i32
    scf.for %scan3A_56 = %scan3A_9 to %scan3A_11 step %scan3A_12  : i32 {
      %mul3A_57 = arith.constant 2 : i32
      %mul3A_58 = arith.muli %mul3A_57, %scan3A_56 : i32
      %add3A_59 = arith.constant 0 : i32
      %add3A_60 = arith.addi %add3A_59, %mul3A_58 : i32
      %mul3A_61 = arith.constant 128 : i32
      %mul3A_62 = arith.muli %add3A_60, %mul3A_61 : i32
      %dma_wait3A_63 = tpu.memref_slice %arg9[%mul3A_62] : memref<3584xi32, #tpu.memory_space<vmem>> -> memref<128xi32, #tpu.memory_space<vmem>>
      %dma_wait3A_64 = arith.constant 0 : i32
      %dma_wait3A_65 = arith.constant 0 : i32
      %dma_wait3A_66 = tpu.memref_slice %arg6[%dma_wait3A_64, %dma_wait3A_65] : memref<1000000x64xf32, #tpu.memory_space<hbm>> -> memref<1000000x64xf32, #tpu.memory_space<hbm>>
      tpu.wait_indirect_dma semaphore(%arg13 : memref<!tpu.dma_semaphore, #tpu.memory_space<semaphore_mem>>) src(%dma_wait3A_66 : memref<1000000x64xf32, #tpu.memory_space<hbm>>) dst(%arg11 : memref<128x64xf32, #tpu.memory_space<vmem>>)
      %add3A_67 = arith.constant 0 : i32
      %add3A_68 = arith.addi %add3A_67, %mul3A_58 : i32
      %dma_start3A_69 = arith.constant 0 : i32
      %dma_start3A_70 = tpu.memref_slice %arg10[%add3A_68, %dma_start3A_69] : memref<28x128xi32, #tpu.memory_space<vmem>> -> memref<1x128xi32, #tpu.memory_space<vmem>>
      %dma_start3A_71 = tpu.memref_squeeze %dma_start3A_70 : memref<1x128xi32, #tpu.memory_space<vmem>> -> memref<128xi32, #tpu.memory_space<vmem>>
      %dma_start3A_72 = arith.constant 0 : i32
      %dma_start3A_73 = arith.constant 0 : i32
      %dma_start3A_74 = tpu.memref_slice %arg8[%dma_start3A_72, %dma_start3A_73] : memref<114688x64xf32, #tpu.memory_space<hbm>> -> memref<114688x64xf32, #tpu.memory_space<hbm>>
      tpu.enqueue_indirect_dma source(%arg11 : memref<128x64xf32, #tpu.memory_space<vmem>>) target(%dma_start3A_74 : memref<114688x64xf32, #tpu.memory_space<hbm>>) offsets(%dma_start3A_71 : memref<128xi32, #tpu.memory_space<vmem>>) semaphore(%arg14 : memref<!tpu.dma_semaphore, #tpu.memory_space<semaphore_mem>>)
      %gt3A = arith.constant 0 : i32
      %gt3A_75 = arith.cmpi sgt, %scan3A_56, %gt3A : i32
      %convert_element_type3A = arith.extui %gt3A_75 : i1 to i32
      %cond3A = arith.constant 0 : i32
      %cond3A_76 = arith.cmpi ne, %convert_element_type3A, %cond3A : i32
      scf.if %cond3A_76 {
        %sub3A = arith.constant 1 : i32
        %sub3A_119 = arith.subi %mul3A_58, %sub3A : i32
        %add3A_120 = arith.constant 0 : i32
        %add3A_121 = arith.addi %add3A_120, %sub3A_119 : i32
        %dma_wait3A_122 = arith.constant 0 : i32
        %dma_wait3A_123 = tpu.memref_slice %arg10[%add3A_121, %dma_wait3A_122] : memref<28x128xi32, #tpu.memory_space<vmem>> -> memref<1x128xi32, #tpu.memory_space<vmem>>
        %dma_wait3A_124 = tpu.memref_squeeze %dma_wait3A_123 : memref<1x128xi32, #tpu.memory_space<vmem>> -> memref<128xi32, #tpu.memory_space<vmem>>
        %dma_wait3A_125 = arith.constant 0 : i32
        %dma_wait3A_126 = arith.constant 0 : i32
        %dma_wait3A_127 = tpu.memref_slice %arg8[%dma_wait3A_125, %dma_wait3A_126] : memref<114688x64xf32, #tpu.memory_space<hbm>> -> memref<114688x64xf32, #tpu.memory_space<hbm>>
        tpu.wait_indirect_dma semaphore(%arg14 : memref<!tpu.dma_semaphore, #tpu.memory_space<semaphore_mem>>) src(%arg12 : memref<128x64xf32, #tpu.memory_space<vmem>>) dst(%dma_wait3A_127 : memref<114688x64xf32, #tpu.memory_space<hbm>>)
      } else {
      }
      %add3A_77 = arith.constant 1 : i32
      %add3A_78 = arith.addi %mul3A_58, %add3A_77 : i32
      %add3A_79 = arith.constant 0 : i32
      %add3A_80 = arith.addi %add3A_79, %add3A_78 : i32
      %mul3A_81 = arith.constant 128 : i32
      %mul3A_82 = arith.muli %add3A_80, %mul3A_81 : i32
      %dma_start3A_83 = tpu.memref_slice %arg9[%mul3A_82] : memref<3584xi32, #tpu.memory_space<vmem>> -> memref<128xi32, #tpu.memory_space<vmem>>
      %dma_start3A_84 = arith.constant 0 : i32
      %dma_start3A_85 = arith.constant 0 : i32
      %dma_start3A_86 = tpu.memref_slice %arg6[%dma_start3A_84, %dma_start3A_85] : memref<1000000x64xf32, #tpu.memory_space<hbm>> -> memref<1000000x64xf32, #tpu.memory_space<hbm>>
      tpu.enqueue_indirect_dma source(%dma_start3A_86 : memref<1000000x64xf32, #tpu.memory_space<hbm>>) target(%arg12 : memref<128x64xf32, #tpu.memory_space<vmem>>) offsets(%dma_start3A_83 : memref<128xi32, #tpu.memory_space<vmem>>) semaphore(%arg13 : memref<!tpu.dma_semaphore, #tpu.memory_space<semaphore_mem>>)
      %add3A_87 = arith.constant 1 : i32
      %add3A_88 = arith.addi %mul3A_58, %add3A_87 : i32
      %add3A_89 = arith.constant 0 : i32
      %add3A_90 = arith.addi %add3A_89, %add3A_88 : i32
      %mul3A_91 = arith.constant 128 : i32
      %mul3A_92 = arith.muli %add3A_90, %mul3A_91 : i32
      %dma_wait3A_93 = tpu.memref_slice %arg9[%mul3A_92] : memref<3584xi32, #tpu.memory_space<vmem>> -> memref<128xi32, #tpu.memory_space<vmem>>
      %dma_wait3A_94 = arith.constant 0 : i32
      %dma_wait3A_95 = arith.constant 0 : i32
      %dma_wait3A_96 = tpu.memref_slice %arg6[%dma_wait3A_94, %dma_wait3A_95] : memref<1000000x64xf32, #tpu.memory_space<hbm>> -> memref<1000000x64xf32, #tpu.memory_space<hbm>>
      tpu.wait_indirect_dma semaphore(%arg13 : memref<!tpu.dma_semaphore, #tpu.memory_space<semaphore_mem>>) src(%dma_wait3A_96 : memref<1000000x64xf32, #tpu.memory_space<hbm>>) dst(%arg12 : memref<128x64xf32, #tpu.memory_space<vmem>>)
      %add3A_97 = arith.constant 1 : i32
      %add3A_98 = arith.addi %mul3A_58, %add3A_97 : i32
      %add3A_99 = arith.constant 0 : i32
      %add3A_100 = arith.addi %add3A_99, %add3A_98 : i32
      %dma_start3A_101 = arith.constant 0 : i32
      %dma_start3A_102 = tpu.memref_slice %arg10[%add3A_100, %dma_start3A_101] : memref<28x128xi32, #tpu.memory_space<vmem>> -> memref<1x128xi32, #tpu.memory_space<vmem>>
      %dma_start3A_103 = tpu.memref_squeeze %dma_start3A_102 : memref<1x128xi32, #tpu.memory_space<vmem>> -> memref<128xi32, #tpu.memory_space<vmem>>
      %dma_start3A_104 = arith.constant 0 : i32
      %dma_start3A_105 = arith.constant 0 : i32
      %dma_start3A_106 = tpu.memref_slice %arg8[%dma_start3A_104, %dma_start3A_105] : memref<114688x64xf32, #tpu.memory_space<hbm>> -> memref<114688x64xf32, #tpu.memory_space<hbm>>
      tpu.enqueue_indirect_dma source(%arg12 : memref<128x64xf32, #tpu.memory_space<vmem>>) target(%dma_start3A_106 : memref<114688x64xf32, #tpu.memory_space<hbm>>) offsets(%dma_start3A_103 : memref<128xi32, #tpu.memory_space<vmem>>) semaphore(%arg14 : memref<!tpu.dma_semaphore, #tpu.memory_space<semaphore_mem>>)
      %add3A_107 = arith.constant 0 : i32
      %add3A_108 = arith.addi %add3A_107, %mul3A_58 : i32
      %dma_wait3A_109 = arith.constant 0 : i32
      %dma_wait3A_110 = tpu.memref_slice %arg10[%add3A_108, %dma_wait3A_109] : memref<28x128xi32, #tpu.memory_space<vmem>> -> memref<1x128xi32, #tpu.memory_space<vmem>>
      %dma_wait3A_111 = tpu.memref_squeeze %dma_wait3A_110 : memref<1x128xi32, #tpu.memory_space<vmem>> -> memref<128xi32, #tpu.memory_space<vmem>>
      %dma_wait3A_112 = arith.constant 0 : i32
      %dma_wait3A_113 = arith.constant 0 : i32
      %dma_wait3A_114 = tpu.memref_slice %arg8[%dma_wait3A_112, %dma_wait3A_113] : memref<114688x64xf32, #tpu.memory_space<hbm>> -> memref<114688x64xf32, #tpu.memory_space<hbm>>
      tpu.wait_indirect_dma semaphore(%arg14 : memref<!tpu.dma_semaphore, #tpu.memory_space<semaphore_mem>>) src(%arg11 : memref<128x64xf32, #tpu.memory_space<vmem>>) dst(%dma_wait3A_114 : memref<114688x64xf32, #tpu.memory_space<hbm>>)
      %lt3A = arith.constant 1 : i32
      %lt3A_115 = arith.cmpi slt, %scan3A_56, %lt3A : i32
      %convert_element_type3A_116 = arith.extui %lt3A_115 : i1 to i32
      %cond3A_117 = arith.constant 0 : i32
      %cond3A_118 = arith.cmpi ne, %convert_element_type3A_116, %cond3A_117 : i32
      scf.if %cond3A_118 {
        %add3A_119 = arith.constant 2 : i32
        %add3A_120 = arith.addi %mul3A_58, %add3A_119 : i32
        %add3A_121 = arith.constant 0 : i32
        %add3A_122 = arith.addi %add3A_121, %add3A_120 : i32
        %mul3A_123 = arith.constant 128 : i32
        %mul3A_124 = arith.muli %add3A_122, %mul3A_123 : i32
        %dma_start3A_125 = tpu.memref_slice %arg9[%mul3A_124] : memref<3584xi32, #tpu.memory_space<vmem>> -> memref<128xi32, #tpu.memory_space<vmem>>
        %dma_start3A_126 = arith.constant 0 : i32
        %dma_start3A_127 = arith.constant 0 : i32
        %dma_start3A_128 = tpu.memref_slice %arg6[%dma_start3A_126, %dma_start3A_127] : memref<1000000x64xf32, #tpu.memory_space<hbm>> -> memref<1000000x64xf32, #tpu.memory_space<hbm>>
        tpu.enqueue_indirect_dma source(%dma_start3A_128 : memref<1000000x64xf32, #tpu.memory_space<hbm>>) target(%arg11 : memref<128x64xf32, #tpu.memory_space<vmem>>) offsets(%dma_start3A_125 : memref<128xi32, #tpu.memory_space<vmem>>) semaphore(%arg13 : memref<!tpu.dma_semaphore, #tpu.memory_space<semaphore_mem>>)
      } else {
      }
    }
    %scan3A_13 = arith.constant 2 : i32
    %dma_wait3A = arith.constant 3 : i32
    %dma_wait3A_14 = arith.constant 0 : i32
    %dma_wait3A_15 = tpu.memref_slice %arg10[%dma_wait3A, %dma_wait3A_14] : memref<28x128xi32, #tpu.memory_space<vmem>> -> memref<1x128xi32, #tpu.memory_space<vmem>>
    %dma_wait3A_16 = tpu.memref_squeeze %dma_wait3A_15 : memref<1x128xi32, #tpu.memory_space<vmem>> -> memref<128xi32, #tpu.memory_space<vmem>>
    %dma_wait3A_17 = arith.constant 0 : i32
    %dma_wait3A_18 = arith.constant 0 : i32
    %dma_wait3A_19 = tpu.memref_slice %arg8[%dma_wait3A_17, %dma_wait3A_18] : memref<114688x64xf32, #tpu.memory_space<hbm>> -> memref<114688x64xf32, #tpu.memory_space<hbm>>
    tpu.wait_indirect_dma semaphore(%arg14 : memref<!tpu.dma_semaphore, #tpu.memory_space<semaphore_mem>>) src(%arg12 : memref<128x64xf32, #tpu.memory_space<vmem>>) dst(%dma_wait3A_19 : memref<114688x64xf32, #tpu.memory_space<hbm>>)
    %dma_start3A_20 = arith.constant 512 : i32
    %dma_start3A_21 = tpu.memref_slice %arg9[%dma_start3A_20] : memref<3584xi32, #tpu.memory_space<vmem>> -> memref<128xi32, #tpu.memory_space<vmem>>
    %dma_start3A_22 = arith.constant 0 : i32
    %dma_start3A_23 = arith.constant 0 : i32
    %dma_start3A_24 = tpu.memref_slice %arg7[%dma_start3A_22, %dma_start3A_23] : memref<1000000x64xf32, #tpu.memory_space<hbm>> -> memref<1000000x64xf32, #tpu.memory_space<hbm>>
    tpu.enqueue_indirect_dma source(%dma_start3A_24 : memref<1000000x64xf32, #tpu.memory_space<hbm>>) target(%arg11 : memref<128x64xf32, #tpu.memory_space<vmem>>) offsets(%dma_start3A_21 : memref<128xi32, #tpu.memory_space<vmem>>) semaphore(%arg13 : memref<!tpu.dma_semaphore, #tpu.memory_space<semaphore_mem>>)
    %scan3A_25 = arith.constant 0 : i32
    %scan3A_26 = arith.constant 0 : i32
    %scan3A_27 = arith.constant 2 : i32
    %scan3A_28 = arith.addi %scan3A_26, %scan3A_27 : i32
    %scan3A_29 = arith.constant 1 : i32
    scf.for %scan3A_56 = %scan3A_26 to %scan3A_28 step %scan3A_29  : i32 {
      %mul3A_57 = arith.constant 2 : i32
      %mul3A_58 = arith.muli %mul3A_57, %scan3A_56 : i32
      %add3A_59 = arith.constant 4 : i32
      %add3A_60 = arith.addi %add3A_59, %mul3A_58 : i32
      %mul3A_61 = arith.constant 128 : i32
      %mul3A_62 = arith.muli %add3A_60, %mul3A_61 : i32
      %dma_wait3A_63 = tpu.memref_slice %arg9[%mul3A_62] : memref<3584xi32, #tpu.memory_space<vmem>> -> memref<128xi32, #tpu.memory_space<vmem>>
      %dma_wait3A_64 = arith.constant 0 : i32
      %dma_wait3A_65 = arith.constant 0 : i32
      %dma_wait3A_66 = tpu.memref_slice %arg7[%dma_wait3A_64, %dma_wait3A_65] : memref<1000000x64xf32, #tpu.memory_space<hbm>> -> memref<1000000x64xf32, #tpu.memory_space<hbm>>
      tpu.wait_indirect_dma semaphore(%arg13 : memref<!tpu.dma_semaphore, #tpu.memory_space<semaphore_mem>>) src(%dma_wait3A_66 : memref<1000000x64xf32, #tpu.memory_space<hbm>>) dst(%arg11 : memref<128x64xf32, #tpu.memory_space<vmem>>)
      %add3A_67 = arith.constant 4 : i32
      %add3A_68 = arith.addi %add3A_67, %mul3A_58 : i32
      %dma_start3A_69 = arith.constant 0 : i32
      %dma_start3A_70 = tpu.memref_slice %arg10[%add3A_68, %dma_start3A_69] : memref<28x128xi32, #tpu.memory_space<vmem>> -> memref<1x128xi32, #tpu.memory_space<vmem>>
      %dma_start3A_71 = tpu.memref_squeeze %dma_start3A_70 : memref<1x128xi32, #tpu.memory_space<vmem>> -> memref<128xi32, #tpu.memory_space<vmem>>
      %dma_start3A_72 = arith.constant 0 : i32
      %dma_start3A_73 = arith.constant 0 : i32
      %dma_start3A_74 = tpu.memref_slice %arg8[%dma_start3A_72, %dma_start3A_73] : memref<114688x64xf32, #tpu.memory_space<hbm>> -> memref<114688x64xf32, #tpu.memory_space<hbm>>
      tpu.enqueue_indirect_dma source(%arg11 : memref<128x64xf32, #tpu.memory_space<vmem>>) target(%dma_start3A_74 : memref<114688x64xf32, #tpu.memory_space<hbm>>) offsets(%dma_start3A_71 : memref<128xi32, #tpu.memory_space<vmem>>) semaphore(%arg14 : memref<!tpu.dma_semaphore, #tpu.memory_space<semaphore_mem>>)
      %gt3A = arith.constant 0 : i32
      %gt3A_75 = arith.cmpi sgt, %scan3A_56, %gt3A : i32
      %convert_element_type3A = arith.extui %gt3A_75 : i1 to i32
      %cond3A = arith.constant 0 : i32
      %cond3A_76 = arith.cmpi ne, %convert_element_type3A, %cond3A : i32
      scf.if %cond3A_76 {
        %sub3A = arith.constant 1 : i32
        %sub3A_119 = arith.subi %mul3A_58, %sub3A : i32
        %add3A_120 = arith.constant 4 : i32
        %add3A_121 = arith.addi %add3A_120, %sub3A_119 : i32
        %dma_wait3A_122 = arith.constant 0 : i32
        %dma_wait3A_123 = tpu.memref_slice %arg10[%add3A_121, %dma_wait3A_122] : memref<28x128xi32, #tpu.memory_space<vmem>> -> memref<1x128xi32, #tpu.memory_space<vmem>>
        %dma_wait3A_124 = tpu.memref_squeeze %dma_wait3A_123 : memref<1x128xi32, #tpu.memory_space<vmem>> -> memref<128xi32, #tpu.memory_space<vmem>>
        %dma_wait3A_125 = arith.constant 0 : i32
        %dma_wait3A_126 = arith.constant 0 : i32
        %dma_wait3A_127 = tpu.memref_slice %arg8[%dma_wait3A_125, %dma_wait3A_126] : memref<114688x64xf32, #tpu.memory_space<hbm>> -> memref<114688x64xf32, #tpu.memory_space<hbm>>
        tpu.wait_indirect_dma semaphore(%arg14 : memref<!tpu.dma_semaphore, #tpu.memory_space<semaphore_mem>>) src(%arg12 : memref<128x64xf32, #tpu.memory_space<vmem>>) dst(%dma_wait3A_127 : memref<114688x64xf32, #tpu.memory_space<hbm>>)
      } else {
      }
      %add3A_77 = arith.constant 1 : i32
      %add3A_78 = arith.addi %mul3A_58, %add3A_77 : i32
      %add3A_79 = arith.constant 4 : i32
      %add3A_80 = arith.addi %add3A_79, %add3A_78 : i32
      %mul3A_81 = arith.constant 128 : i32
      %mul3A_82 = arith.muli %add3A_80, %mul3A_81 : i32
      %dma_start3A_83 = tpu.memref_slice %arg9[%mul3A_82] : memref<3584xi32, #tpu.memory_space<vmem>> -> memref<128xi32, #tpu.memory_space<vmem>>
      %dma_start3A_84 = arith.constant 0 : i32
      %dma_start3A_85 = arith.constant 0 : i32
      %dma_start3A_86 = tpu.memref_slice %arg7[%dma_start3A_84, %dma_start3A_85] : memref<1000000x64xf32, #tpu.memory_space<hbm>> -> memref<1000000x64xf32, #tpu.memory_space<hbm>>
      tpu.enqueue_indirect_dma source(%dma_start3A_86 : memref<1000000x64xf32, #tpu.memory_space<hbm>>) target(%arg12 : memref<128x64xf32, #tpu.memory_space<vmem>>) offsets(%dma_start3A_83 : memref<128xi32, #tpu.memory_space<vmem>>) semaphore(%arg13 : memref<!tpu.dma_semaphore, #tpu.memory_space<semaphore_mem>>)
      %add3A_87 = arith.constant 1 : i32
      %add3A_88 = arith.addi %mul3A_58, %add3A_87 : i32
      %add3A_89 = arith.constant 4 : i32
      %add3A_90 = arith.addi %add3A_89, %add3A_88 : i32
      %mul3A_91 = arith.constant 128 : i32
      %mul3A_92 = arith.muli %add3A_90, %mul3A_91 : i32
      %dma_wait3A_93 = tpu.memref_slice %arg9[%mul3A_92] : memref<3584xi32, #tpu.memory_space<vmem>> -> memref<128xi32, #tpu.memory_space<vmem>>
      %dma_wait3A_94 = arith.constant 0 : i32
      %dma_wait3A_95 = arith.constant 0 : i32
      %dma_wait3A_96 = tpu.memref_slice %arg7[%dma_wait3A_94, %dma_wait3A_95] : memref<1000000x64xf32, #tpu.memory_space<hbm>> -> memref<1000000x64xf32, #tpu.memory_space<hbm>>
      tpu.wait_indirect_dma semaphore(%arg13 : memref<!tpu.dma_semaphore, #tpu.memory_space<semaphore_mem>>) src(%dma_wait3A_96 : memref<1000000x64xf32, #tpu.memory_space<hbm>>) dst(%arg12 : memref<128x64xf32, #tpu.memory_space<vmem>>)
      %add3A_97 = arith.constant 1 : i32
      %add3A_98 = arith.addi %mul3A_58, %add3A_97 : i32
      %add3A_99 = arith.constant 4 : i32
      %add3A_100 = arith.addi %add3A_99, %add3A_98 : i32
      %dma_start3A_101 = arith.constant 0 : i32
      %dma_start3A_102 = tpu.memref_slice %arg10[%add3A_100, %dma_start3A_101] : memref<28x128xi32, #tpu.memory_space<vmem>> -> memref<1x128xi32, #tpu.memory_space<vmem>>
      %dma_start3A_103 = tpu.memref_squeeze %dma_start3A_102 : memref<1x128xi32, #tpu.memory_space<vmem>> -> memref<128xi32, #tpu.memory_space<vmem>>
      %dma_start3A_104 = arith.constant 0 : i32
      %dma_start3A_105 = arith.constant 0 : i32
      %dma_start3A_106 = tpu.memref_slice %arg8[%dma_start3A_104, %dma_start3A_105] : memref<114688x64xf32, #tpu.memory_space<hbm>> -> memref<114688x64xf32, #tpu.memory_space<hbm>>
      tpu.enqueue_indirect_dma source(%arg12 : memref<128x64xf32, #tpu.memory_space<vmem>>) target(%dma_start3A_106 : memref<114688x64xf32, #tpu.memory_space<hbm>>) offsets(%dma_start3A_103 : memref<128xi32, #tpu.memory_space<vmem>>) semaphore(%arg14 : memref<!tpu.dma_semaphore, #tpu.memory_space<semaphore_mem>>)
      %add3A_107 = arith.constant 4 : i32
      %add3A_108 = arith.addi %add3A_107, %mul3A_58 : i32
      %dma_wait3A_109 = arith.constant 0 : i32
      %dma_wait3A_110 = tpu.memref_slice %arg10[%add3A_108, %dma_wait3A_109] : memref<28x128xi32, #tpu.memory_space<vmem>> -> memref<1x128xi32, #tpu.memory_space<vmem>>
      %dma_wait3A_111 = tpu.memref_squeeze %dma_wait3A_110 : memref<1x128xi32, #tpu.memory_space<vmem>> -> memref<128xi32, #tpu.memory_space<vmem>>
      %dma_wait3A_112 = arith.constant 0 : i32
      %dma_wait3A_113 = arith.constant 0 : i32
      %dma_wait3A_114 = tpu.memref_slice %arg8[%dma_wait3A_112, %dma_wait3A_113] : memref<114688x64xf32, #tpu.memory_space<hbm>> -> memref<114688x64xf32, #tpu.memory_space<hbm>>
      tpu.wait_indirect_dma semaphore(%arg14 : memref<!tpu.dma_semaphore, #tpu.memory_space<semaphore_mem>>) src(%arg11 : memref<128x64xf32, #tpu.memory_space<vmem>>) dst(%dma_wait3A_114 : memref<114688x64xf32, #tpu.memory_space<hbm>>)
      %lt3A = arith.constant 1 : i32
      %lt3A_115 = arith.cmpi slt, %scan3A_56, %lt3A : i32
      %convert_element_type3A_116 = arith.extui %lt3A_115 : i1 to i32
      %cond3A_117 = arith.constant 0 : i32
      %cond3A_118 = arith.cmpi ne, %convert_element_type3A_116, %cond3A_117 : i32
      scf.if %cond3A_118 {
        %add3A_119 = arith.constant 2 : i32
        %add3A_120 = arith.addi %mul3A_58, %add3A_119 : i32
        %add3A_121 = arith.constant 4 : i32
        %add3A_122 = arith.addi %add3A_121, %add3A_120 : i32
        %mul3A_123 = arith.constant 128 : i32
        %mul3A_124 = arith.muli %add3A_122, %mul3A_123 : i32
        %dma_start3A_125 = tpu.memref_slice %arg9[%mul3A_124] : memref<3584xi32, #tpu.memory_space<vmem>> -> memref<128xi32, #tpu.memory_space<vmem>>
        %dma_start3A_126 = arith.constant 0 : i32
        %dma_start3A_127 = arith.constant 0 : i32
        %dma_start3A_128 = tpu.memref_slice %arg7[%dma_start3A_126, %dma_start3A_127] : memref<1000000x64xf32, #tpu.memory_space<hbm>> -> memref<1000000x64xf32, #tpu.memory_space<hbm>>
        tpu.enqueue_indirect_dma source(%dma_start3A_128 : memref<1000000x64xf32, #tpu.memory_space<hbm>>) target(%arg11 : memref<128x64xf32, #tpu.memory_space<vmem>>) offsets(%dma_start3A_125 : memref<128xi32, #tpu.memory_space<vmem>>) semaphore(%arg13 : memref<!tpu.dma_semaphore, #tpu.memory_space<semaphore_mem>>)
      } else {
      }
    }
    %scan3A_30 = arith.constant 2 : i32
    %dma_wait3A_31 = arith.constant 7 : i32
    %dma_wait3A_32 = arith.constant 0 : i32
    %dma_wait3A_33 = tpu.memref_slice %arg10[%dma_wait3A_31, %dma_wait3A_32] : memref<28x128xi32, #tpu.memory_space<vmem>> -> memref<1x128xi32, #tpu.memory_space<vmem>>
    %dma_wait3A_34 = tpu.memref_squeeze %dma_wait3A_33 : memref<1x128xi32, #tpu.memory_space<vmem>> -> memref<128xi32, #tpu.memory_space<vmem>>
    %dma_wait3A_35 = arith.constant 0 : i32
    %dma_wait3A_36 = arith.constant 0 : i32
    %dma_wait3A_37 = tpu.memref_slice %arg8[%dma_wait3A_35, %dma_wait3A_36] : memref<114688x64xf32, #tpu.memory_space<hbm>> -> memref<114688x64xf32, #tpu.memory_space<hbm>>
    tpu.wait_indirect_dma semaphore(%arg14 : memref<!tpu.dma_semaphore, #tpu.memory_space<semaphore_mem>>) src(%arg12 : memref<128x64xf32, #tpu.memory_space<vmem>>) dst(%dma_wait3A_37 : memref<114688x64xf32, #tpu.memory_space<hbm>>)
    %dma_start3A_38 = arith.constant 1024 : i32
    %dma_start3A_39 = tpu.memref_slice %arg9[%dma_start3A_38] : memref<3584xi32, #tpu.memory_space<vmem>> -> memref<128xi32, #tpu.memory_space<vmem>>
    %dma_start3A_40 = arith.constant 0 : i32
    %dma_start3A_41 = arith.constant 0 : i32
    %dma_start3A_42 = tpu.memref_slice %arg7[%dma_start3A_40, %dma_start3A_41] : memref<1000000x64xf32, #tpu.memory_space<hbm>> -> memref<1000000x64xf32, #tpu.memory_space<hbm>>
    tpu.enqueue_indirect_dma source(%dma_start3A_42 : memref<1000000x64xf32, #tpu.memory_space<hbm>>) target(%arg11 : memref<128x64xf32, #tpu.memory_space<vmem>>) offsets(%dma_start3A_39 : memref<128xi32, #tpu.memory_space<vmem>>) semaphore(%arg13 : memref<!tpu.dma_semaphore, #tpu.memory_space<semaphore_mem>>)
    %scan3A_43 = arith.constant 0 : i32
    %scan3A_44 = arith.constant 0 : i32
    %scan3A_45 = arith.constant 10 : i32
    %scan3A_46 = arith.addi %scan3A_44, %scan3A_45 : i32
    %scan3A_47 = arith.constant 1 : i32
    scf.for %scan3A_56 = %scan3A_44 to %scan3A_46 step %scan3A_47  : i32 {
      %mul3A_57 = arith.constant 2 : i32
      %mul3A_58 = arith.muli %mul3A_57, %scan3A_56 : i32
      %add3A_59 = arith.constant 8 : i32
      %add3A_60 = arith.addi %add3A_59, %mul3A_58 : i32
      %mul3A_61 = arith.constant 128 : i32
      %mul3A_62 = arith.muli %add3A_60, %mul3A_61 : i32
      %dma_wait3A_63 = tpu.memref_slice %arg9[%mul3A_62] : memref<3584xi32, #tpu.memory_space<vmem>> -> memref<128xi32, #tpu.memory_space<vmem>>
      %dma_wait3A_64 = arith.constant 0 : i32
      %dma_wait3A_65 = arith.constant 0 : i32
      %dma_wait3A_66 = tpu.memref_slice %arg7[%dma_wait3A_64, %dma_wait3A_65] : memref<1000000x64xf32, #tpu.memory_space<hbm>> -> memref<1000000x64xf32, #tpu.memory_space<hbm>>
      tpu.wait_indirect_dma semaphore(%arg13 : memref<!tpu.dma_semaphore, #tpu.memory_space<semaphore_mem>>) src(%dma_wait3A_66 : memref<1000000x64xf32, #tpu.memory_space<hbm>>) dst(%arg11 : memref<128x64xf32, #tpu.memory_space<vmem>>)
      %add3A_67 = arith.constant 8 : i32
      %add3A_68 = arith.addi %add3A_67, %mul3A_58 : i32
      %dma_start3A_69 = arith.constant 0 : i32
      %dma_start3A_70 = tpu.memref_slice %arg10[%add3A_68, %dma_start3A_69] : memref<28x128xi32, #tpu.memory_space<vmem>> -> memref<1x128xi32, #tpu.memory_space<vmem>>
      %dma_start3A_71 = tpu.memref_squeeze %dma_start3A_70 : memref<1x128xi32, #tpu.memory_space<vmem>> -> memref<128xi32, #tpu.memory_space<vmem>>
      %dma_start3A_72 = arith.constant 0 : i32
      %dma_start3A_73 = arith.constant 0 : i32
      %dma_start3A_74 = tpu.memref_slice %arg8[%dma_start3A_72, %dma_start3A_73] : memref<114688x64xf32, #tpu.memory_space<hbm>> -> memref<114688x64xf32, #tpu.memory_space<hbm>>
      tpu.enqueue_indirect_dma source(%arg11 : memref<128x64xf32, #tpu.memory_space<vmem>>) target(%dma_start3A_74 : memref<114688x64xf32, #tpu.memory_space<hbm>>) offsets(%dma_start3A_71 : memref<128xi32, #tpu.memory_space<vmem>>) semaphore(%arg14 : memref<!tpu.dma_semaphore, #tpu.memory_space<semaphore_mem>>)
      %gt3A = arith.constant 0 : i32
      %gt3A_75 = arith.cmpi sgt, %scan3A_56, %gt3A : i32
      %convert_element_type3A = arith.extui %gt3A_75 : i1 to i32
      %cond3A = arith.constant 0 : i32
      %cond3A_76 = arith.cmpi ne, %convert_element_type3A, %cond3A : i32
      scf.if %cond3A_76 {
        %sub3A = arith.constant 1 : i32
        %sub3A_119 = arith.subi %mul3A_58, %sub3A : i32
        %add3A_120 = arith.constant 8 : i32
        %add3A_121 = arith.addi %add3A_120, %sub3A_119 : i32
        %dma_wait3A_122 = arith.constant 0 : i32
        %dma_wait3A_123 = tpu.memref_slice %arg10[%add3A_121, %dma_wait3A_122] : memref<28x128xi32, #tpu.memory_space<vmem>> -> memref<1x128xi32, #tpu.memory_space<vmem>>
        %dma_wait3A_124 = tpu.memref_squeeze %dma_wait3A_123 : memref<1x128xi32, #tpu.memory_space<vmem>> -> memref<128xi32, #tpu.memory_space<vmem>>
        %dma_wait3A_125 = arith.constant 0 : i32
        %dma_wait3A_126 = arith.constant 0 : i32
        %dma_wait3A_127 = tpu.memref_slice %arg8[%dma_wait3A_125, %dma_wait3A_126] : memref<114688x64xf32, #tpu.memory_space<hbm>> -> memref<114688x64xf32, #tpu.memory_space<hbm>>
        tpu.wait_indirect_dma semaphore(%arg14 : memref<!tpu.dma_semaphore, #tpu.memory_space<semaphore_mem>>) src(%arg12 : memref<128x64xf32, #tpu.memory_space<vmem>>) dst(%dma_wait3A_127 : memref<114688x64xf32, #tpu.memory_space<hbm>>)
      } else {
      }
      %add3A_77 = arith.constant 1 : i32
      %add3A_78 = arith.addi %mul3A_58, %add3A_77 : i32
      %add3A_79 = arith.constant 8 : i32
      %add3A_80 = arith.addi %add3A_79, %add3A_78 : i32
      %mul3A_81 = arith.constant 128 : i32
      %mul3A_82 = arith.muli %add3A_80, %mul3A_81 : i32
      %dma_start3A_83 = tpu.memref_slice %arg9[%mul3A_82] : memref<3584xi32, #tpu.memory_space<vmem>> -> memref<128xi32, #tpu.memory_space<vmem>>
      %dma_start3A_84 = arith.constant 0 : i32
      %dma_start3A_85 = arith.constant 0 : i32
      %dma_start3A_86 = tpu.memref_slice %arg7[%dma_start3A_84, %dma_start3A_85] : memref<1000000x64xf32, #tpu.memory_space<hbm>> -> memref<1000000x64xf32, #tpu.memory_space<hbm>>
      tpu.enqueue_indirect_dma source(%dma_start3A_86 : memref<1000000x64xf32, #tpu.memory_space<hbm>>) target(%arg12 : memref<128x64xf32, #tpu.memory_space<vmem>>) offsets(%dma_start3A_83 : memref<128xi32, #tpu.memory_space<vmem>>) semaphore(%arg13 : memref<!tpu.dma_semaphore, #tpu.memory_space<semaphore_mem>>)
      %add3A_87 = arith.constant 1 : i32
      %add3A_88 = arith.addi %mul3A_58, %add3A_87 : i32
      %add3A_89 = arith.constant 8 : i32
      %add3A_90 = arith.addi %add3A_89, %add3A_88 : i32
      %mul3A_91 = arith.constant 128 : i32
      %mul3A_92 = arith.muli %add3A_90, %mul3A_91 : i32
      %dma_wait3A_93 = tpu.memref_slice %arg9[%mul3A_92] : memref<3584xi32, #tpu.memory_space<vmem>> -> memref<128xi32, #tpu.memory_space<vmem>>
      %dma_wait3A_94 = arith.constant 0 : i32
      %dma_wait3A_95 = arith.constant 0 : i32
      %dma_wait3A_96 = tpu.memref_slice %arg7[%dma_wait3A_94, %dma_wait3A_95] : memref<1000000x64xf32, #tpu.memory_space<hbm>> -> memref<1000000x64xf32, #tpu.memory_space<hbm>>
      tpu.wait_indirect_dma semaphore(%arg13 : memref<!tpu.dma_semaphore, #tpu.memory_space<semaphore_mem>>) src(%dma_wait3A_96 : memref<1000000x64xf32, #tpu.memory_space<hbm>>) dst(%arg12 : memref<128x64xf32, #tpu.memory_space<vmem>>)
      %add3A_97 = arith.constant 1 : i32
      %add3A_98 = arith.addi %mul3A_58, %add3A_97 : i32
      %add3A_99 = arith.constant 8 : i32
      %add3A_100 = arith.addi %add3A_99, %add3A_98 : i32
      %dma_start3A_101 = arith.constant 0 : i32
      %dma_start3A_102 = tpu.memref_slice %arg10[%add3A_100, %dma_start3A_101] : memref<28x128xi32, #tpu.memory_space<vmem>> -> memref<1x128xi32, #tpu.memory_space<vmem>>
      %dma_start3A_103 = tpu.memref_squeeze %dma_start3A_102 : memref<1x128xi32, #tpu.memory_space<vmem>> -> memref<128xi32, #tpu.memory_space<vmem>>
      %dma_start3A_104 = arith.constant 0 : i32
      %dma_start3A_105 = arith.constant 0 : i32
      %dma_start3A_106 = tpu.memref_slice %arg8[%dma_start3A_104, %dma_start3A_105] : memref<114688x64xf32, #tpu.memory_space<hbm>> -> memref<114688x64xf32, #tpu.memory_space<hbm>>
      tpu.enqueue_indirect_dma source(%arg12 : memref<128x64xf32, #tpu.memory_space<vmem>>) target(%dma_start3A_106 : memref<114688x64xf32, #tpu.memory_space<hbm>>) offsets(%dma_start3A_103 : memref<128xi32, #tpu.memory_space<vmem>>) semaphore(%arg14 : memref<!tpu.dma_semaphore, #tpu.memory_space<semaphore_mem>>)
      %add3A_107 = arith.constant 8 : i32
      %add3A_108 = arith.addi %add3A_107, %mul3A_58 : i32
      %dma_wait3A_109 = arith.constant 0 : i32
      %dma_wait3A_110 = tpu.memref_slice %arg10[%add3A_108, %dma_wait3A_109] : memref<28x128xi32, #tpu.memory_space<vmem>> -> memref<1x128xi32, #tpu.memory_space<vmem>>
      %dma_wait3A_111 = tpu.memref_squeeze %dma_wait3A_110 : memref<1x128xi32, #tpu.memory_space<vmem>> -> memref<128xi32, #tpu.memory_space<vmem>>
      %dma_wait3A_112 = arith.constant 0 : i32
      %dma_wait3A_113 = arith.constant 0 : i32
      %dma_wait3A_114 = tpu.memref_slice %arg8[%dma_wait3A_112, %dma_wait3A_113] : memref<114688x64xf32, #tpu.memory_space<hbm>> -> memref<114688x64xf32, #tpu.memory_space<hbm>>
      tpu.wait_indirect_dma semaphore(%arg14 : memref<!tpu.dma_semaphore, #tpu.memory_space<semaphore_mem>>) src(%arg11 : memref<128x64xf32, #tpu.memory_space<vmem>>) dst(%dma_wait3A_114 : memref<114688x64xf32, #tpu.memory_space<hbm>>)
      %lt3A = arith.constant 9 : i32
      %lt3A_115 = arith.cmpi slt, %scan3A_56, %lt3A : i32
      %convert_element_type3A_116 = arith.extui %lt3A_115 : i1 to i32
      %cond3A_117 = arith.constant 0 : i32
      %cond3A_118 = arith.cmpi ne, %convert_element_type3A_116, %cond3A_117 : i32
      scf.if %cond3A_118 {
        %add3A_119 = arith.constant 2 : i32
        %add3A_120 = arith.addi %mul3A_58, %add3A_119 : i32
        %add3A_121 = arith.constant 8 : i32
        %add3A_122 = arith.addi %add3A_121, %add3A_120 : i32
        %mul3A_123 = arith.constant 128 : i32
        %mul3A_124 = arith.muli %add3A_122, %mul3A_123 : i32
        %dma_start3A_125 = tpu.memref_slice %arg9[%mul3A_124] : memref<3584xi32, #tpu.memory_space<vmem>> -> memref<128xi32, #tpu.memory_space<vmem>>
        %dma_start3A_126 = arith.constant 0 : i32
        %dma_start3A_127 = arith.constant 0 : i32
        %dma_start3A_128 = tpu.memref_slice %arg7[%dma_start3A_126, %dma_start3A_127] : memref<1000000x64xf32, #tpu.memory_space<hbm>> -> memref<1000000x64xf32, #tpu.memory_space<hbm>>
        tpu.enqueue_indirect_dma source(%dma_start3A_128 : memref<1000000x64xf32, #tpu.memory_space<hbm>>) target(%arg11 : memref<128x64xf32, #tpu.memory_space<vmem>>) offsets(%dma_start3A_125 : memref<128xi32, #tpu.memory_space<vmem>>) semaphore(%arg13 : memref<!tpu.dma_semaphore, #tpu.memory_space<semaphore_mem>>)
      } else {
      }
    }
    %scan3A_48 = arith.constant 10 : i32
    %dma_wait3A_49 = arith.constant 27 : i32
    %dma_wait3A_50 = arith.constant 0 : i32
    %dma_wait3A_51 = tpu.memref_slice %arg10[%dma_wait3A_49, %dma_wait3A_50] : memref<28x128xi32, #tpu.memory_space<vmem>> -> memref<1x128xi32, #tpu.memory_space<vmem>>
    %dma_wait3A_52 = tpu.memref_squeeze %dma_wait3A_51 : memref<1x128xi32, #tpu.memory_space<vmem>> -> memref<128xi32, #tpu.memory_space<vmem>>
    %dma_wait3A_53 = arith.constant 0 : i32
    %dma_wait3A_54 = arith.constant 0 : i32
    %dma_wait3A_55 = tpu.memref_slice %arg8[%dma_wait3A_53, %dma_wait3A_54] : memref<114688x64xf32, #tpu.memory_space<hbm>> -> memref<114688x64xf32, #tpu.memory_space<hbm>>
    tpu.wait_indirect_dma semaphore(%arg14 : memref<!tpu.dma_semaphore, #tpu.memory_space<semaphore_mem>>) src(%arg12 : memref<128x64xf32, #tpu.memory_space<vmem>>) dst(%dma_wait3A_55 : memref<114688x64xf32, #tpu.memory_space<hbm>>)
    return
  }
}

</mosaic_0001>

<sc_bundles>
// kernel: kernel.3.cloned.1.call-start
scs
__scs_entry_jumppad:
0x0: {  	(pc) =	sbr.rel $0x88, $3  }
0x1: {  	(tag) =	ssettag $0x0;
	lr =	simm.s32 $0x1  }
0x2: {  	[smem:$0x3F9C] =	sst lr;
	_ =	strace $0xD0000000  }
0x3: {  	_ = 	snop  }
0x4: {  	_ = 	snop  }
0x5: {  	_ = 	snop  }
0x6: {  	_ = 	snop  }
0x7: {  	_ = 	snop  }
__scs_overlays_trampoline_lowered:
0x8: {  	[smem:$0x3FAB] =	sst s0  }
0x9: {  	[smem:$0x3FAC] =	sst s1  }
0xa: {  	[smem:$0x3FAD] =	sst s2  }
0xb: {  	[smem:$0x3FAE] =	sst s3  }
0xc: {  	[smem:$0x3FAF] =	sst s4  }
0xd: {  	[smem:$0x3FB0] =	sst s5  }
0xe: {  	[smem:$0x3FB1] =	sst s6  }
0xf: {  	[smem:$0x3FB2] =	sst s7  }
0x10: {  	[smem:$0x3FB3] =	sst s8  }
0x11: {  	[smem:$0x3FB4] =	sst s9;
	s0 =	simm.s32 @!p0 $0x0  }
0x12: {  	s1 =	sld [smem:$0x3F9A];
	s0 =	simm.s32 @p0 $0x1  }
0x13: {  	[smem:$0x3FB5] =	sst s0;
	s0 =	simm.s32 @!p1 $0x0  }
0x14: {  	s2 =	sld [smem:$0x3F99];
	s0 =	simm.s32 @p1 $0x1  }
0x15: {  	[smem:$0x3FB6] =	sst s0;
	s0 =	simm.s32 @!p2 $0x0  }
0x16: {  	s3 =	sld [smem:$0x3FDB];
	s0 =	simm.s32 @p2 $0x1  }
0x17: {  	s4 =	simm.s32 $0x1BF5;
	[smem:$0x3FB8] =	sst s0  }
0x18: {  	s0 =	sld [smem:$0x3F9B];
	_ =	swait.ge [sflag:s4], $0x0  }
0x19: {  	s7 =	sld [smem:$0x3F9C]  }
0x1a: {  	s8 =	sadd.s32 $0xFFFFE003, lr  }
0x1b: {  	s9 =	sadd.s32 $0xFFFFFEF7, lr;
	s5 =	simm.s32 $0xFFFFFFFF;
	p2 =	slt.u32 s8, $0xFFFFF086  }
0x1c: {  	p1 =	slt.u32 s9, $0xF7A;
	s5 =	simm.s32 @!p2 $0x0  }
0x1d: {  	s5 =	simm.s32 @p1 $0x1;
	p0 =	seq.s32 s7, s2  }
0x1e: {  	s7 =	smul.u32 @!p0 $0xF7A, s2;
	p2 =	seq.s32 @!p0 s5, $0x0  }
0x1f: {  	s9 =	smul.u32 $0xF7A, s1;
	s8 =	simm.s32 @!p0 $0x1BF5;
	p2 =	por !p2, p0  }
0x20: {  	[sflag:s8] =	ssyncset.s32 @!p0 $0xFFFFF086;
	s6 =	sadd.s32 @!p0 s3, s7;
	s7 =	simm.s32 @!p0 $0x108  }
0x21: {  	s3 =	sadd.s32 s3, s9;
	s6 =	sadd.s32 @!p0 $0x88, s6;
	s7 =	simm.s32 @p2 $0x1082  }
0x22: {  	[simem:s7], [sflag:s8] =	dma.local @!p0 [hbm:s6], $0xF7A  }
0x23: {  	s9 =	sor.u32 $0xD0000000, s2;
	s6 =	simm.s32 $0x108;
	_ =	swait.ge @!p0 [sflag:s8], $0x0  }
0x24: {  	s3 =	sadd.s32 $0x88, s3;
	s6 =	simm.s32 @!p1 $0x1082;
	[sflag:s4] =	ssyncset.s32 $0xFFFFF086  }
0x25: {  	[simem:s6], [sflag:s4] =	dma.local [hbm:s3], $0xF7A  }
0x26: {  	[smem:$0x3F9C] =	sst s1;
	(tag) =	ssettag s2;
	_ =	strace s9  }
0x27: {  	s1 =	sld [smem:$0x3FAC]  }
0x28: {  	s2 =	sld [smem:$0x3FAD]  }
0x29: {  	s4 =	sld [smem:$0x3FAF]  }
0x2a: {  	p0 =	seq.s32 s5, $0x0;
	s5 =	sld [smem:$0x3FB0]  }
0x2b: {  	s6 =	sld [smem:$0x3FB1]  }
0x2c: {  	s7 =	sld [smem:$0x3FB2]  }
0x2d: {  	s3 =	simm.s32 $0x108;
	s8 =	sld [smem:$0x3FB3]  }
0x2e: {  	s3 =	simm.s32 @!p0 $0x1082;
	s9 =	sld [smem:$0x3FB4]  }
0x2f: {  	lr =	sadd.s32 s0, s3;
	s0 =	sld [smem:$0x3FAB]  }
0x30: {  	s3 =	sld [smem:$0x3FAE]  }
0x31: {  	[smem:$0x3FB7] =	sst s10  }
0x32: {  	s10 =	sld [smem:$0x3FB5];
	_ =	sdelay $0x3  }
0x33: {  	p0 =	seq.s32 s10, $0x1;
	s10 =	sld [smem:$0x3FB7];
	_ =	sdelay $0x3  }
0x34: {  	[smem:$0x3FB7] =	sst s10  }
0x35: {  	s10 =	sld [smem:$0x3FB6];
	_ =	sdelay $0x3  }
0x36: {  	p1 =	seq.s32 s10, $0x1;
	s10 =	sld [smem:$0x3FB7];
	_ =	sdelay $0x3  }
0x37: {  	[smem:$0x3FB7] =	sst s10  }
0x38: {  	s10 =	sld [smem:$0x3FB8]  }
0x39: {  	_ = 	snop;
	(pc) =	sbr.ind lr, $3  }
0x3a: {  	_ = 	snop  }
0x3b: {  	_ = 	snop  }
0x3c: {  	p2 =	seq.s32 s10, $0x1;
	s10 =	sld [smem:$0x3FB7]  }
0x3d: {  	_ =	shalt  }
0x3e: {  	_ =	shalt  }
0x3f: {  	_ =	shalt  }
0x40: {  	_ =	shalt  }
0x41: {  	_ =	shalt  }
0x42: {  	_ =	shalt  }
0x43: {  	_ =	shalt  }
0x44: {  	_ =	shalt  }
0x45: {  	_ =	shalt  }
0x46: {  	_ =	shalt  }
0x47: {  	_ =	shalt  }
0x48: {  	_ =	shalt  }
0x49: {  	_ =	shalt  }
0x4a: {  	_ =	shalt  }
0x4b: {  	_ =	shalt  }
0x4c: {  	_ =	shalt  }
0x4d: {  	_ =	shalt  }
0x4e: {  	_ =	shalt  }
0x4f: {  	_ =	shalt  }
0x50: {  	_ =	shalt  }
0x51: {  	_ =	shalt  }
0x52: {  	_ =	shalt  }
0x53: {  	_ =	shalt  }
0x54: {  	_ =	shalt  }
0x55: {  	_ =	shalt  }
0x56: {  	_ =	shalt  }
0x57: {  	_ =	shalt  }
0x58: {  	_ =	shalt  }
0x59: {  	_ =	shalt  }
0x5a: {  	_ =	shalt  }
0x5b: {  	_ =	shalt  }
0x5c: {  	_ =	shalt  }
0x5d: {  	_ =	shalt  }
0x5e: {  	_ =	shalt  }
0x5f: {  	_ =	shalt  }
0x60: {  	_ =	shalt  }
0x61: {  	_ =	shalt  }
0x62: {  	_ =	shalt  }
0x63: {  	_ =	shalt  }
0x64: {  	_ =	shalt  }
0x65: {  	_ =	shalt  }
0x66: {  	_ =	shalt  }
0x67: {  	_ =	shalt  }
0x68: {  	_ =	shalt  }
0x69: {  	_ =	shalt  }
0x6a: {  	_ =	shalt  }
0x6b: {  	_ =	shalt  }
0x6c: {  	_ =	shalt  }
0x6d: {  	_ =	shalt  }
0x6e: {  	_ =	shalt  }
0x6f: {  	_ =	shalt  }
0x70: {  	_ =	shalt  }
0x71: {  	_ =	shalt  }
0x72: {  	_ =	shalt  }
0x73: {  	_ =	shalt  }
0x74: {  	_ =	shalt  }
0x75: {  	_ =	shalt  }
0x76: {  	_ =	shalt  }
0x77: {  	_ =	shalt  }
0x78: {  	_ =	shalt  }
0x79: {  	_ =	shalt  }
0x7a: {  	_ =	shalt  }
0x7b: {  	_ =	shalt  }
0x7c: {  	_ =	shalt  }
0x7d: {  	_ =	shalt  }
0x7e: {  	_ =	shalt  }
0x7f: {  	_ =	shalt  }
0x80: {  	_ =	shalt  }
0x81: {  	_ =	shalt  }
0x82: {  	_ =	shalt  }
0x83: {  	_ =	shalt  }
0x84: {  	_ =	shalt  }
0x85: {  	_ =	shalt  }
0x86: {  	_ =	shalt  }
0x87: {  	_ =	shalt  }
.Lfunc_end0:
.L_simem_size_0:
called_computation_lowered:
.L_overlay_start_0:
0x88: {  	s2 =	sld [smem:$0x3FD9]  }
0x89: {  	s3 =	sld [smem:$0x3FFE];
	_ =	sdelay $0x1  }
0x8a: {  	s1 =	srdreg.scid  }
0x8b: {  	s0 =	sand.u32 $0x1, s1  }
0x8c: {  	s17 =	sshll.u32 s0, $0xA;
	s2 =	sadd.s32 s3, s2  }
0x8d: {  	s2 =	sadd.s32 s2, s17  }
0x8e: {  	[smem:$0x3FC3] =	sst s2  }
0x8f: {  	_ = 	snop  }
0x90: {  	s2 =	sld [smem:$0x3FC9]  }
0x91: {  	s18 =	sld [smem:$0x3FC8]  }
0x92: {  	s4 =	sld [smem:$0x3FC5]  }
0x93: {  	s5 =	sld [smem:$0x3FD0];
	(tm) =	ssettm $0x1  }
0x94: {  	s6 =	sld [smem:$0x3FFB];
	_ =	sdelay $0x3  }
0x95: {  	_ =	strace s6  }
0x96: {  	s6 =	sld [smem:$0x3FFC];
	_ =	sdelay $0x3  }
0x97: {  	_ =	strace s6  }
0x98: {  	s6 =	sld [smem:$0x3FFD];
	_ =	sdelay $0x3  }
0x99: {  	_ =	strace s6  }
0x9a: {  	_ =	strace $0x8FFFFFFF  }
0x9b: {  	s19 =	sld [smem:$0x3FDB];
	_ =	sdelay $0x1  }
0x9c: {  	s7 =	simm.s32 $_scs_section_size  }
0x9d: {  	s8 =	simm.s32 $_size__tile_overlayer_lowered;
	s9 =	simm.s32 $_tile_overlayer_lowered  }
0x9e: {  	s22 =	simm.s32 $0x1BFF;
	s21 =	sshll.u32 s9, $0x1;
	s6 =	sadd.s32 s7, s19  }
0x9f: {  	s10 =	simm.s32 $0x0;
	s20 =	sshll.u32 s8, $0x1;
	s8 =	sadd.s32 s21, s6  }
0xa0: {  	[timem:s10], [sflag:s22] =	dma.local [hbm:s8], s20  }
0xa1: {  	_ =	swait.ge [sflag:s22], s20  }
0xa2: {  	s7 =	ssub.s32 $0x0, s20;
	[sflag:s22] =	ssyncset.done $0x0  }
0xa3: {  	[sflag:s22] =	ssyncadd.s32 s7;
	_ =	sdelay $0x1  }
0xa4: {  	s23 =	simm.s32 $0x1B8B  }
0xa5: {  	_ =	swait.ge [sflag:s23], $0x1  }
0xa6: {  	[sflag:s23] =	ssyncset.done $0x0  }
0xa7: {  	s25 =	simm.s32 $0x1B8E;
	s24 =	sld [smem:$0x3FFE];
	[sflag:s23] =	ssyncadd.s32 $0xFFFFFFFF  }
0xa8: {  	s26 =	simm.s32 $execute0_lowered;
	[smem:$0x3FD2] =	sst s25  }
0xa9: {  	s8 =	sshll.u32 s26, $0x1;
	_ =	strace $0x80000046;
	[dreg:$0x1] =	wrdreg $0xFFFFFFFF  }
0xaa: {  	s28 =	simm.s32 $_size_execute0_lowered;
	s6 =	sadd.s32 s6, s8;
	[dreg:$0x0] =	wrdreg $0x0  }
0xab: {  	s8 =	sshll.u32 s28, $0x1;
	[dreg:$0x2] =	wrdreg s6  }
0xac: {  	[dreg:$0x3] =	wrdreg s8  }
0xad: {  	[dreg:$0x4] =	wrdreg $0xC0  }
0xae: {  	_ =	task [dreg:s10], $0x5FFFF  }
0xaf: {  	[dreg:$0x1] =	wrdreg $0xFFFFFFFF  }
0xb0: {  	[dreg:$0x0] =	wrdreg $0x60  }
0xb1: {  	[dreg:$0x2] =	wrdreg s2  }
0xb2: {  	[dreg:$0x3] =	wrdreg s18  }
0xb3: {  	[dreg:$0x4] =	wrdreg s4  }
0xb4: {  	[dreg:$0x5] =	wrdreg s24  }
0xb5: {  	[dreg:$0x6] =	wrdreg s5  }
0xb6: {  	[dreg:$0x7] =	wrdreg $0x9  }
0xb7: {  	_ =	task.clear_ibuf [dreg:s10], $0x8FFFF;
	_ =	strace $0x90000046  }
0xb8: {  	s29 =	simm.s32 $0x9;
	_ =	strace $0x80000048  }
0xb9: {  	_ =	swait.ge [sflag:s29], $0x1  }
0xba: {  	[sflag:s29] =	ssyncadd.s32 $0xFFFFFFFF  }
0xbb: {  	_ =	strace $0x90000048  }
0xbc: {  	_ =	sfence  }
0xbd: {  	s30 =	sld [smem:$0x0];
	_ =	sdelay $0x2  }
0xbe: {  	s31 =	sshll.u32 s1, $0xD;
	s1 =	sshrl.u32 s1, $0x2  }
0xbf: {  	s3 =	sand.u32 $0x4000, s31;
	s1 =	sadd.s32 s1, s30  }
0xc0: {  	s0 =	sor.u32 s3, s0;
	s1 =	sshll.u32 s1, $0x11  }
0xc1: {  	s0 =	sor.u32 s1, s0  }
0xc2: {  	s0 =	sadd.s32 $0x8F2B, s0  }
0xc3: {  	[sflag:s0] =	ssyncadd.remote.s32 $0x1  }
0xc4: {  	_ =	sfence.sel $0xFFFF  }
0xc5: {  	[dreg:$0x0] =	wrdreg $0xFFFFFFFF;
	(pc) =	sbr.abs _section_cstart, $3  }
0xc6: {  	[dreg:$0x1] =	wrdreg $0xFFFFFFFF  }
0xc7: {  	_ =	task.clear_ibuf [dreg:s10], $0x2FFFF;
	_ =	strace $0x9FFFFFFF  }
0xc8: {  	(tm) =	ssettm $0x7FFFFFFF  }
0xc9: {  	_ =	shalt  }
tec
execute0_lowered:
.L_overlay_start_1:
0x0: {  	(tag) =	ssettag $0x1  }
0x1: {  	s0 =	rddreg [dreg:$0x0]  }
0x2: {  	s3 =	rddreg [dreg:$0x1]  }
0x3: {  	s5 =	rddreg [dreg:$0x2]  }
0x4: {  	s1 =	rddreg [dreg:$0x3]  }
0x5: {  	s2 =	rddreg [dreg:$0x4];
	s25 =	simm.s32 $0x0  }
0x6: {  	s10 =	simm.s32 $0xE80;
	[smem:$0x7FF] =	sst s25  }
0x7: {  	s11 =	simm.s32 $0x100;
	_ =	strace $0x80000047;
	[dreg:$0xa] =	wrdreg s10  }
0x8: {  	s12 =	simm.s32 $0xF00;
	[dreg:$0xb] =	wrdreg s11  }
0x9: {  	s13 =	simm.s32 $0x180;
	[dreg:$0xc] =	wrdreg s12  }
0xa: {  	s14 =	simm.s32 $0xF80;
	[dreg:$0xd] =	wrdreg s13  }
0xb: {  	s15 =	simm.s32 $0x1000;
	[dreg:$0xe] =	wrdreg s14  }
0xc: {  	s16 =	simm.s32 $0x280;
	[dreg:$0xf] =	wrdreg s15  }
0xd: {  	s17 =	simm.s32 $0x1080;
	[dreg:$0x10] =	wrdreg s16  }
0xe: {  	s18 =	simm.s32 $0x300;
	[dreg:$0x11] =	wrdreg s17  }
0xf: {  	s19 =	simm.s32 $0x1100;
	[dreg:$0x12] =	wrdreg s18  }
0x10: {  	s20 =	simm.s32 $0x380;
	[dreg:$0x13] =	wrdreg s19  }
0x11: {  	s21 =	simm.s32 $0x1180;
	[dreg:$0x14] =	wrdreg s20  }
0x12: {  	s4 =	srdreg.scid;
	s22 =	simm.s32 $0x1200;
	[dreg:$0x15] =	wrdreg s21  }
0x13: {  	s9 =	stileid.u32;
	s23 =	simm.s32 $0x480;
	[dreg:$0x16] =	wrdreg s22  }
0x14: {  	s30 =	simm.s32 $0x3;
	[dreg:$0x17] =	wrdreg s23;
	s10 =	simm.s32 $0x680  }
0x15: {  	s29 =	simm.s32 $0x200;
	s12 =	simm.s32 $0x1480;
	[dreg:$0x1f] =	wrdreg s10  }
0x16: {  	s31 =	simm.s32 $0xE00;
	s13 =	simm.s32 $0x700;
	[smem:$0x7F1] =	sst s12  }
0x17: {  	p0 =	por $0x0, $0x0;
	s14 =	simm.s32 $0x1500;
	[smem:$0x7F2] =	sst s13  }
0x18: {  	s4 =	sand.u32 $0x1, s4;
	s15 =	simm.s32 $0x780;
	[smem:$0x7F3] =	sst s14  }
0x19: {  	s6 =	sshll.u32 s9, $0x1;
	s16 =	simm.s32 $0x1580;
	[smem:$0x7F4] =	sst s15  }
0x1a: {  	s28 =	sadd.s32 $0x16E3C00, s1;
	s17 =	simm.s32 $0x800;
	[smem:$0x7F5] =	sst s16  }
0x1b: {  	s6 =	sor.u32 s4, s6;
	s18 =	simm.s32 $0x1600;
	[smem:$0x7F6] =	sst s17  }
0x1c: {  	s11 =	ssub.s32 $0x2, s4;
	s19 =	simm.s32 $0x880;
	[smem:$0x7F7] =	sst s18  }
0x1d: {  	s20 =	simm.s32 $0x1680;
	s21 =	simm.s32 $0x900;
	[smem:$0x7F8] =	sst s19  }
0x1e: {  	s22 =	simm.s32 $0x1700;
	s23 =	simm.s32 $0x980;
	[smem:$0x7F9] =	sst s20  }
0x1f: {  	s7 =	smul.u32 $0x1C0, s6;
	s8 =	sshll.u32 s6, $0x6;
	[smem:$0x7FA] =	sst s21  }
0x20: {  	s6 =	smul.u32 $0x140, s6;
	s4 =	sshrl.u32 s11, $0x1;
	[smem:$0x7FB] =	sst s22  }
0x21: {  	[smem:$0x7FC] =	sst s23;
	s15 =	simm.s32 $0xA00;
	s23 =	simm.s32 $0xA80  }
0x22: {  	s22 =	simm.s32 $0x1880;
	s21 =	simm.s32 $0xB00;
	s20 =	simm.s32 $0x1900  }
0x23: {  	s19 =	simm.s32 $0xB80;
	s18 =	simm.s32 $0x1980;
	s17 =	simm.s32 $0xC00  }
0x24: {  	s16 =	simm.s32 $0xC80;
	s14 =	simm.s32 $0x1A80;
	s13 =	simm.s32 $0xD00  }
0x25: {  	s12 =	simm.s32 $0x1B00;
	s10 =	simm.s32 $0x1B80;
	s0 =	sadd.s32 s0, s8  }
0x26: {  	s24 =	sadd.s32 s3, s8;
	s3 =	simm.s32 $0x1300;
	[dreg:$0x6] =	wrdreg s0  }
0x27: {  	s26 =	sadd.s32 s7, s1;
	[dreg:$0x7] =	wrdreg s24;
	s7 =	sadd.s32 s5, s6  }
0x28: {  	s24 =	simm.s32 $0x1280;
	[dreg:$0x1a] =	wrdreg s3;
	s5 =	simm.s32 $0x580  }
0x29: {  	s6 =	simm.s32 $0x1380;
	s3 =	sadd.s32 $0xF42A00, s1;
	[dreg:$0x8] =	wrdreg s7  }
0x2a: {  	s1 =	ssub.s32 s11, s4;
	s4 =	simm.s32 $0x80;
	[dreg:$0x18] =	wrdreg s24  }
0x2b: {  	s11 =	simm.s32 $0xD80;
	s8 =	sadd.s32 $0x600, s26;
	[dreg:$0x1b] =	wrdreg s5  }
0x2c: {  	s26 =	simm.s32 $0x500;
	[dreg:$0x1c] =	wrdreg s6;
	s1 =	smax.u32 s1, $0x1  }
0x2d: {  	s7 =	simm.s32 $0x600;
	s0 =	rddreg [dreg:$0x6];
	p1 =	sne.s32 s1, $0x1  }
.Ltmp0:
0x2e: {  	s6 =	simm.s32 $0x1;
	[dreg:$0x9] =	wrdreg s8;
	(pc) =	sbr.rel @!p1 .LBB2_1-.Ltmp0, $4  }
0x2f: {  	s5 =	simm.s32 $0x2;
	s24 =	simm.s32 $0x1780;
	[dreg:$0x19] =	wrdreg s26  }
0x30: {  	[dreg:$0x1d] =	wrdreg s7;
	s8 =	simm.s32 $0x1400;
	s26 =	simm.s32 $0x400  }
0x31: {  	s7 =	simm.s32 $0x3C00;
	[smem:$0x7FD] =	sst s24;
	s24 =	simm.s32 $0x1800  }
0x32: {  	s1 =	sadd.s32 $0xFFFFFFFF, s1;
	[dreg:$0x1e] =	wrdreg s8;
	s8 =	simm.s32 $0x1C00  }
0x33: {  	[tilespmem:s25], [sflag:$0x3] =	stream.linear.gather [hbm4b:s0+s25], $0x200, $0x38;
	[tilespmem:$0x5C00] =	vst v63  }
0x34: {  	_ =	swait.ge [sflag:s30], $0x200  }
0x35: {  	[sflag:s30] =	ssyncset.done $0x0  }
0x36: {  	s9 =	rddreg [dreg:$0x7];
	[sflag:s30] =	ssyncadd.s32 $0xFFFFFE00  }
0x37: {  	[tilespmem:s29], [sflag:$0x3] =	stream.linear.gather [hbm4b:s9+s25], $0x200, $0x38;
	[tilespmem:$0x5C00] =	vst v63  }
0x38: {  	_ =	swait.ge [sflag:s30], $0x200  }
0x39: {  	[sflag:s30] =	ssyncset.done $0x0  }
0x3a: {  	s9 =	rddreg [dreg:$0x8];
	[sflag:s30] =	ssyncadd.s32 $0xFFFFFE00  }
0x3b: {  	[tilespmem:s26], [sflag:$0x3] =	stream.linear.gather [hbm4b:s9+s25], $0xA00, $0x38;
	[tilespmem:$0x5C00] =	vst v63  }
0x3c: {  	_ =	swait.ge [sflag:s30], $0xA00  }
0x3d: {  	[sflag:s30] =	ssyncset.done $0x0  }
0x3e: {  	s9 =	rddreg [dreg:$0x9];
	[sflag:s30] =	ssyncadd.s32 $0xFFFFF600  }
0x3f: {  	[tilespmem:s31], [sflag:$0x3] =	stream.linear.gather [hbm4b:s9+s25], $0xE00, $0x38;
	[tilespmem:$0x5C00] =	vst v63  }
0x40: {  	_ =	swait.ge [sflag:s30], $0xE00  }
0x41: {  	[sflag:s30] =	ssyncset.done $0x0  }
0x42: {  	[sflag:s30] =	ssyncadd.s32 $0xFFFFF200  }
0x43: {  	[tilespmem:s8], [sflag:$0x1] =	stream.indirect.gather [hbm4b:s28+s4], $0x40, s25, s4, $0xb8;
	[tilespmem:$0x5C00] =	vst v63  }
0x44: {  	_ =	swait.ge [sflag:s6], $0x2000  }
0x45: {  	[sflag:s6] =	ssyncset.done $0x0  }
0x46: {  	[sflag:s6] =	ssyncadd.s32 $0xFFFFE000  }
0x47: {  	[hbm4b:s2+s4] =	stream.indirect.scatter [tilespmem:s8], [sflag:$0x2], $0x40, s31, s4, $0xb8;
	[tilespmem:$0x5C00] =	vst v63  }
0x48: {  	_ = 	snop  }
0x49: {  	[tilespmem:s7], [sflag:$0x1] =	stream.indirect.gather [hbm4b:s28+s4], $0x40, s4, s4, $0xb8;
	[tilespmem:$0x5C00] =	vst v63  }
0x4a: {  	_ =	swait.ge [sflag:s6], $0x2000  }
0x4b: {  	[sflag:s6] =	ssyncset.done $0x0  }
0x4c: {  	s9 =	rddreg [dreg:$0xa];
	[sflag:s6] =	ssyncadd.s32 $0xFFFFE000  }
0x4d: {  	[hbm4b:s2+s4] =	stream.indirect.scatter [tilespmem:s7], [sflag:$0x2], $0x40, s9, s4, $0xb8;
	[tilespmem:$0x5C00] =	vst v63  }
0x4e: {  	_ =	swait.ge [sflag:s5], $0x2000  }
0x4f: {  	[sflag:s5] =	ssyncset.done $0x0  }
0x50: {  	s9 =	rddreg [dreg:$0xb];
	[sflag:s5] =	ssyncadd.s32 $0xFFFFE000  }
0x51: {  	[tilespmem:s8], [sflag:$0x1] =	stream.indirect.gather [hbm4b:s28+s4], $0x40, s9, s4, $0xb8;
	[tilespmem:$0x5C00] =	vst v63  }
0x52: {  	_ =	swait.ge [sflag:s6], $0x2000  }
0x53: {  	[sflag:s6] =	ssyncset.done $0x0  }
0x54: {  	s9 =	rddreg [dreg:$0xc];
	[sflag:s6] =	ssyncadd.s32 $0xFFFFE000  }
0x55: {  	[hbm4b:s2+s4] =	stream.indirect.scatter [tilespmem:s8], [sflag:$0x2], $0x40, s9, s4, $0xb8;
	[tilespmem:$0x5C00] =	vst v63  }
0x56: {  	_ =	swait.ge [sflag:s5], $0x2000  }
0x57: {  	[sflag:s5] =	ssyncset.done $0x0  }
0x58: {  	s9 =	rddreg [dreg:$0xd];
	[sflag:s5] =	ssyncadd.s32 $0xFFFFE000  }
0x59: {  	[tilespmem:s7], [sflag:$0x1] =	stream.indirect.gather [hbm4b:s28+s4], $0x40, s9, s4, $0xb8;
	[tilespmem:$0x5C00] =	vst v63  }
0x5a: {  	_ =	swait.ge [sflag:s6], $0x2000  }
0x5b: {  	[sflag:s6] =	ssyncset.done $0x0  }
0x5c: {  	s9 =	rddreg [dreg:$0xe];
	[sflag:s6] =	ssyncadd.s32 $0xFFFFE000  }
0x5d: {  	[hbm4b:s2+s4] =	stream.indirect.scatter [tilespmem:s7], [sflag:$0x2], $0x40, s9, s4, $0xb8;
	[tilespmem:$0x5C00] =	vst v63  }
0x5e: {  	_ =	swait.ge [sflag:s5], $0x2000  }
0x5f: {  	[sflag:s5] =	ssyncset.done $0x0  }
0x60: {  	[sflag:s5] =	ssyncadd.s32 $0xFFFFE000  }
0x61: {  	_ =	swait.ge [sflag:s5], $0x2000  }
0x62: {  	[sflag:s5] =	ssyncset.done $0x0  }
0x63: {  	[sflag:s5] =	ssyncadd.s32 $0xFFFFE000  }
0x64: {  	[tilespmem:s8], [sflag:$0x1] =	stream.indirect.gather [hbm4b:s3+s4], $0x40, s29, s4, $0xb8;
	[tilespmem:$0x5C00] =	vst v63  }
0x65: {  	_ =	swait.ge [sflag:s6], $0x2000  }
0x66: {  	[sflag:s6] =	ssyncset.done $0x0  }
0x67: {  	s0 =	rddreg [dreg:$0xf];
	[sflag:s6] =	ssyncadd.s32 $0xFFFFE000  }
0x68: {  	[hbm4b:s2+s4] =	stream.indirect.scatter [tilespmem:s8], [sflag:$0x2], $0x40, s0, s4, $0xb8;
	[tilespmem:$0x5C00] =	vst v63  }
0x69: {  	s9 =	smov.u32 s1;
	s1 =	rddreg [dreg:$0x10]  }
0x6a: {  	[tilespmem:s7], [sflag:$0x1] =	stream.indirect.gather [hbm4b:s3+s4], $0x40, s1, s4, $0xb8;
	[tilespmem:$0x5C00] =	vst v63  }
0x6b: {  	_ =	swait.ge [sflag:s6], $0x2000  }
0x6c: {  	[sflag:s6] =	ssyncset.done $0x0  }
0x6d: {  	s1 =	rddreg [dreg:$0x11];
	[sflag:s6] =	ssyncadd.s32 $0xFFFFE000  }
0x6e: {  	[hbm4b:s2+s4] =	stream.indirect.scatter [tilespmem:s7], [sflag:$0x2], $0x40, s1, s4, $0xb8;
	[tilespmem:$0x5C00] =	vst v63  }
0x6f: {  	_ =	swait.ge [sflag:s5], $0x2000  }
0x70: {  	[sflag:s5] =	ssyncset.done $0x0  }
0x71: {  	s1 =	rddreg [dreg:$0x12];
	[sflag:s5] =	ssyncadd.s32 $0xFFFFE000  }
0x72: {  	[tilespmem:s8], [sflag:$0x1] =	stream.indirect.gather [hbm4b:s3+s4], $0x40, s1, s4, $0xb8;
	[tilespmem:$0x5C00] =	vst v63  }
0x73: {  	_ =	swait.ge [sflag:s6], $0x2000  }
0x74: {  	[sflag:s6] =	ssyncset.done $0x0  }
0x75: {  	s1 =	rddreg [dreg:$0x13];
	[sflag:s6] =	ssyncadd.s32 $0xFFFFE000  }
0x76: {  	[hbm4b:s2+s4] =	stream.indirect.scatter [tilespmem:s8], [sflag:$0x2], $0x40, s1, s4, $0xb8;
	[tilespmem:$0x5C00] =	vst v63  }
0x77: {  	_ =	swait.ge [sflag:s5], $0x2000  }
0x78: {  	[sflag:s5] =	ssyncset.done $0x0  }
0x79: {  	s1 =	rddreg [dreg:$0x14];
	[sflag:s5] =	ssyncadd.s32 $0xFFFFE000  }
0x7a: {  	[tilespmem:s7], [sflag:$0x1] =	stream.indirect.gather [hbm4b:s3+s4], $0x40, s1, s4, $0xb8;
	[tilespmem:$0x5C00] =	vst v63  }
0x7b: {  	_ =	swait.ge [sflag:s6], $0x2000  }
0x7c: {  	[sflag:s6] =	ssyncset.done $0x0  }
0x7d: {  	s1 =	rddreg [dreg:$0x15];
	[sflag:s6] =	ssyncadd.s32 $0xFFFFE000  }
0x7e: {  	[hbm4b:s2+s4] =	stream.indirect.scatter [tilespmem:s7], [sflag:$0x2], $0x40, s1, s4, $0xb8;
	[tilespmem:$0x5C00] =	vst v63  }
0x7f: {  	_ =	swait.ge [sflag:s5], $0x2000  }
0x80: {  	[sflag:s5] =	ssyncset.done $0x0  }
0x81: {  	[sflag:s5] =	ssyncadd.s32 $0xFFFFE000  }
0x82: {  	_ =	swait.ge [sflag:s5], $0x2000  }
0x83: {  	[sflag:s5] =	ssyncset.done $0x0  }
0x84: {  	[sflag:s5] =	ssyncadd.s32 $0xFFFFE000  }
0x85: {  	[tilespmem:s8], [sflag:$0x1] =	stream.indirect.gather [hbm4b:s3+s4], $0x40, s26, s4, $0xb8;
	[tilespmem:$0x5C00] =	vst v63  }
0x86: {  	_ =	swait.ge [sflag:s6], $0x2000  }
0x87: {  	[sflag:s6] =	ssyncset.done $0x0  }
0x88: {  	s0 =	rddreg [dreg:$0x16];
	[sflag:s6] =	ssyncadd.s32 $0xFFFFE000  }
0x89: {  	[hbm4b:s2+s4] =	stream.indirect.scatter [tilespmem:s8], [sflag:$0x2], $0x40, s0, s4, $0xb8;
	[tilespmem:$0x5C00] =	vst v63  }
0x8a: {  	s1 =	rddreg [dreg:$0x17]  }
0x8b: {  	[tilespmem:s7], [sflag:$0x1] =	stream.indirect.gather [hbm4b:s3+s4], $0x40, s1, s4, $0xb8;
	[tilespmem:$0x5C00] =	vst v63  }
0x8c: {  	_ =	swait.ge [sflag:s6], $0x2000  }
0x8d: {  	[sflag:s6] =	ssyncset.done $0x0  }
0x8e: {  	s1 =	rddreg [dreg:$0x18];
	[sflag:s6] =	ssyncadd.s32 $0xFFFFE000  }
0x8f: {  	[hbm4b:s2+s4] =	stream.indirect.scatter [tilespmem:s7], [sflag:$0x2], $0x40, s1, s4, $0xb8;
	[tilespmem:$0x5C00] =	vst v63  }
0x90: {  	_ =	swait.ge [sflag:s5], $0x2000  }
0x91: {  	[sflag:s5] =	ssyncset.done $0x0  }
0x92: {  	s1 =	rddreg [dreg:$0x19];
	[sflag:s5] =	ssyncadd.s32 $0xFFFFE000  }
0x93: {  	[tilespmem:s8], [sflag:$0x1] =	stream.indirect.gather [hbm4b:s3+s4], $0x40, s1, s4, $0xb8;
	[tilespmem:$0x5C00] =	vst v63  }
0x94: {  	_ =	swait.ge [sflag:s6], $0x2000  }
0x95: {  	[sflag:s6] =	ssyncset.done $0x0  }
0x96: {  	s1 =	rddreg [dreg:$0x1a];
	[sflag:s6] =	ssyncadd.s32 $0xFFFFE000  }
0x97: {  	[hbm4b:s2+s4] =	stream.indirect.scatter [tilespmem:s8], [sflag:$0x2], $0x40, s1, s4, $0xb8;
	[tilespmem:$0x5C00] =	vst v63  }
0x98: {  	_ =	swait.ge [sflag:s5], $0x2000  }
0x99: {  	[sflag:s5] =	ssyncset.done $0x0  }
0x9a: {  	s1 =	rddreg [dreg:$0x1b];
	[sflag:s5] =	ssyncadd.s32 $0xFFFFE000  }
0x9b: {  	[tilespmem:s7], [sflag:$0x1] =	stream.indirect.gather [hbm4b:s3+s4], $0x40, s1, s4, $0xb8;
	[tilespmem:$0x5C00] =	vst v63  }
0x9c: {  	_ =	swait.ge [sflag:s6], $0x2000  }
0x9d: {  	[sflag:s6] =	ssyncset.done $0x0  }
0x9e: {  	s1 =	rddreg [dreg:$0x1c];
	[sflag:s6] =	ssyncadd.s32 $0xFFFFE000  }
0x9f: {  	[hbm4b:s2+s4] =	stream.indirect.scatter [tilespmem:s7], [sflag:$0x2], $0x40, s1, s4, $0xb8;
	[tilespmem:$0x5C00] =	vst v63  }
0xa0: {  	_ =	swait.ge [sflag:s5], $0x2000  }
0xa1: {  	[sflag:s5] =	ssyncset.done $0x0  }
0xa2: {  	s1 =	rddreg [dreg:$0x1d];
	[sflag:s5] =	ssyncadd.s32 $0xFFFFE000  }
0xa3: {  	[tilespmem:s8], [sflag:$0x1] =	stream.indirect.gather [hbm4b:s3+s4], $0x40, s1, s4, $0xb8;
	[tilespmem:$0x5C00] =	vst v63  }
0xa4: {  	_ =	swait.ge [sflag:s6], $0x2000  }
0xa5: {  	[sflag:s6] =	ssyncset.done $0x0  }
0xa6: {  	s1 =	rddreg [dreg:$0x1e];
	[sflag:s6] =	ssyncadd.s32 $0xFFFFE000  }
0xa7: {  	[hbm4b:s2+s4] =	stream.indirect.scatter [tilespmem:s8], [sflag:$0x2], $0x40, s1, s4, $0xb8;
	[tilespmem:$0x5C00] =	vst v63  }
0xa8: {  	_ =	swait.ge [sflag:s5], $0x2000  }
0xa9: {  	[sflag:s5] =	ssyncset.done $0x0  }
0xaa: {  	s1 =	rddreg [dreg:$0x1f];
	[sflag:s5] =	ssyncadd.s32 $0xFFFFE000  }
0xab: {  	[tilespmem:s7], [sflag:$0x1] =	stream.indirect.gather [hbm4b:s3+s4], $0x40, s1, s4, $0xb8;
	[tilespmem:$0x5C00] =	vst v63  }
0xac: {  	_ =	swait.ge [sflag:s6], $0x2000  }
0xad: {  	s1 =	sld [smem:$0x7F1]  }
0xae: {  	[sflag:s6] =	ssyncset.done $0x0  }
0xaf: {  	[sflag:s6] =	ssyncadd.s32 $0xFFFFE000  }
0xb0: {  	[hbm4b:s2+s4] =	stream.indirect.scatter [tilespmem:s7], [sflag:$0x2], $0x40, s1, s4, $0xb8;
	[tilespmem:$0x5C00] =	vst v63  }
0xb1: {  	_ =	swait.ge [sflag:s5], $0x2000  }
0xb2: {  	s1 =	sld [smem:$0x7F2]  }
0xb3: {  	[sflag:s5] =	ssyncset.done $0x0  }
0xb4: {  	[sflag:s5] =	ssyncadd.s32 $0xFFFFE000  }
0xb5: {  	[tilespmem:s8], [sflag:$0x1] =	stream.indirect.gather [hbm4b:s3+s4], $0x40, s1, s4, $0xb8;
	[tilespmem:$0x5C00] =	vst v63  }
0xb6: {  	_ =	swait.ge [sflag:s6], $0x2000  }
0xb7: {  	s1 =	sld [smem:$0x7F3]  }
0xb8: {  	[sflag:s6] =	ssyncset.done $0x0  }
0xb9: {  	[sflag:s6] =	ssyncadd.s32 $0xFFFFE000  }
0xba: {  	[hbm4b:s2+s4] =	stream.indirect.scatter [tilespmem:s8], [sflag:$0x2], $0x40, s1, s4, $0xb8;
	[tilespmem:$0x5C00] =	vst v63  }
0xbb: {  	_ =	swait.ge [sflag:s5], $0x2000  }
0xbc: {  	s1 =	sld [smem:$0x7F4]  }
0xbd: {  	[sflag:s5] =	ssyncset.done $0x0  }
0xbe: {  	[sflag:s5] =	ssyncadd.s32 $0xFFFFE000  }
0xbf: {  	[tilespmem:s7], [sflag:$0x1] =	stream.indirect.gather [hbm4b:s3+s4], $0x40, s1, s4, $0xb8;
	[tilespmem:$0x5C00] =	vst v63  }
0xc0: {  	_ =	swait.ge [sflag:s6], $0x2000  }
0xc1: {  	s1 =	sld [smem:$0x7F5]  }
0xc2: {  	[sflag:s6] =	ssyncset.done $0x0  }
0xc3: {  	[sflag:s6] =	ssyncadd.s32 $0xFFFFE000  }
0xc4: {  	[hbm4b:s2+s4] =	stream.indirect.scatter [tilespmem:s7], [sflag:$0x2], $0x40, s1, s4, $0xb8;
	[tilespmem:$0x5C00] =	vst v63  }
0xc5: {  	_ =	swait.ge [sflag:s5], $0x2000  }
0xc6: {  	s1 =	sld [smem:$0x7F6]  }
0xc7: {  	[sflag:s5] =	ssyncset.done $0x0  }
0xc8: {  	[sflag:s5] =	ssyncadd.s32 $0xFFFFE000  }
0xc9: {  	[tilespmem:s8], [sflag:$0x1] =	stream.indirect.gather [hbm4b:s3+s4], $0x40, s1, s4, $0xb8;
	[tilespmem:$0x5C00] =	vst v63  }
0xca: {  	_ =	swait.ge [sflag:s6], $0x2000  }
0xcb: {  	s1 =	sld [smem:$0x7F7]  }
0xcc: {  	[sflag:s6] =	ssyncset.done $0x0  }
0xcd: {  	[sflag:s6] =	ssyncadd.s32 $0xFFFFE000  }
0xce: {  	[hbm4b:s2+s4] =	stream.indirect.scatter [tilespmem:s8], [sflag:$0x2], $0x40, s1, s4, $0xb8;
	[tilespmem:$0x5C00] =	vst v63  }
0xcf: {  	_ =	swait.ge [sflag:s5], $0x2000  }
0xd0: {  	s1 =	sld [smem:$0x7F8]  }
0xd1: {  	[sflag:s5] =	ssyncset.done $0x0  }
0xd2: {  	[sflag:s5] =	ssyncadd.s32 $0xFFFFE000  }
0xd3: {  	[tilespmem:s7], [sflag:$0x1] =	stream.indirect.gather [hbm4b:s3+s4], $0x40, s1, s4, $0xb8;
	[tilespmem:$0x5C00] =	vst v63  }
0xd4: {  	_ =	swait.ge [sflag:s6], $0x2000  }
0xd5: {  	s1 =	sld [smem:$0x7F9]  }
0xd6: {  	[sflag:s6] =	ssyncset.done $0x0  }
0xd7: {  	[sflag:s6] =	ssyncadd.s32 $0xFFFFE000  }
0xd8: {  	[hbm4b:s2+s4] =	stream.indirect.scatter [tilespmem:s7], [sflag:$0x2], $0x40, s1, s4, $0xb8;
	[tilespmem:$0x5C00] =	vst v63  }
0xd9: {  	_ =	swait.ge [sflag:s5], $0x2000  }
0xda: {  	s1 =	sld [smem:$0x7FA]  }
0xdb: {  	[sflag:s5] =	ssyncset.done $0x0  }
0xdc: {  	[sflag:s5] =	ssyncadd.s32 $0xFFFFE000  }
0xdd: {  	[tilespmem:s8], [sflag:$0x1] =	stream.indirect.gather [hbm4b:s3+s4], $0x40, s1, s4, $0xb8;
	[tilespmem:$0x5C00] =	vst v63  }
0xde: {  	_ =	swait.ge [sflag:s6], $0x2000  }
0xdf: {  	s1 =	sld [smem:$0x7FB]  }
0xe0: {  	[sflag:s6] =	ssyncset.done $0x0  }
0xe1: {  	[sflag:s6] =	ssyncadd.s32 $0xFFFFE000  }
0xe2: {  	[hbm4b:s2+s4] =	stream.indirect.scatter [tilespmem:s8], [sflag:$0x2], $0x40, s1, s4, $0xb8;
	[tilespmem:$0x5C00] =	vst v63  }
0xe3: {  	_ =	swait.ge [sflag:s5], $0x2000  }
0xe4: {  	s1 =	sld [smem:$0x7FC]  }
0xe5: {  	[sflag:s5] =	ssyncset.done $0x0  }
0xe6: {  	[sflag:s5] =	ssyncadd.s32 $0xFFFFE000  }
0xe7: {  	[tilespmem:s7], [sflag:$0x1] =	stream.indirect.gather [hbm4b:s3+s4], $0x40, s1, s4, $0xb8;
	[tilespmem:$0x5C00] =	vst v63  }
0xe8: {  	_ =	swait.ge [sflag:s6], $0x2000  }
0xe9: {  	s1 =	sld [smem:$0x7FD]  }
0xea: {  	[sflag:s6] =	ssyncset.done $0x0  }
0xeb: {  	[sflag:s6] =	ssyncadd.s32 $0xFFFFE000  }
0xec: {  	[hbm4b:s2+s4] =	stream.indirect.scatter [tilespmem:s7], [sflag:$0x2], $0x40, s1, s4, $0xb8;
	[tilespmem:$0x5C00] =	vst v63  }
0xed: {  	_ =	swait.ge [sflag:s5], $0x2000  }
0xee: {  	[sflag:s5] =	ssyncset.done $0x0  }
0xef: {  	[sflag:s5] =	ssyncadd.s32 $0xFFFFE000  }
0xf0: {  	[tilespmem:s8], [sflag:$0x1] =	stream.indirect.gather [hbm4b:s3+s4], $0x40, s15, s4, $0xb8;
	[tilespmem:$0x5C00] =	vst v63  }
0xf1: {  	_ =	swait.ge [sflag:s6], $0x2000  }
0xf2: {  	[sflag:s6] =	ssyncset.done $0x0  }
0xf3: {  	[sflag:s6] =	ssyncadd.s32 $0xFFFFE000  }
0xf4: {  	[hbm4b:s2+s4] =	stream.indirect.scatter [tilespmem:s8], [sflag:$0x2], $0x40, s24, s4, $0xb8;
	[tilespmem:$0x5C00] =	vst v63  }
0xf5: {  	_ =	swait.ge [sflag:s5], $0x2000  }
0xf6: {  	[sflag:s5] =	ssyncset.done $0x0  }
0xf7: {  	[sflag:s5] =	ssyncadd.s32 $0xFFFFE000  }
0xf8: {  	[tilespmem:s7], [sflag:$0x1] =	stream.indirect.gather [hbm4b:s3+s4], $0x40, s23, s4, $0xb8;
	[tilespmem:$0x5C00] =	vst v63  }
0xf9: {  	_ =	swait.ge [sflag:s6], $0x2000  }
0xfa: {  	[sflag:s6] =	ssyncset.done $0x0  }
0xfb: {  	[sflag:s6] =	ssyncadd.s32 $0xFFFFE000  }
0xfc: {  	[hbm4b:s2+s4] =	stream.indirect.scatter [tilespmem:s7], [sflag:$0x2], $0x40, s22, s4, $0xb8;
	[tilespmem:$0x5C00] =	vst v63  }
0xfd: {  	_ =	swait.ge [sflag:s5], $0x2000  }
0xfe: {  	[sflag:s5] =	ssyncset.done $0x0  }
0xff: {  	[sflag:s5] =	ssyncadd.s32 $0xFFFFE000  }
0x100: {  	[tilespmem:s8], [sflag:$0x1] =	stream.indirect.gather [hbm4b:s3+s4], $0x40, s21, s4, $0xb8;
	[tilespmem:$0x5C00] =	vst v63  }
0x101: {  	_ =	swait.ge [sflag:s6], $0x2000  }
0x102: {  	[sflag:s6] =	ssyncset.done $0x0  }
0x103: {  	[sflag:s6] =	ssyncadd.s32 $0xFFFFE000  }
0x104: {  	[hbm4b:s2+s4] =	stream.indirect.scatter [tilespmem:s8], [sflag:$0x2], $0x40, s20, s4, $0xb8;
	[tilespmem:$0x5C00] =	vst v63  }
0x105: {  	_ =	swait.ge [sflag:s5], $0x2000  }
0x106: {  	[sflag:s5] =	ssyncset.done $0x0  }
0x107: {  	[sflag:s5] =	ssyncadd.s32 $0xFFFFE000  }
0x108: {  	[tilespmem:s7], [sflag:$0x1] =	stream.indirect.gather [hbm4b:s3+s4], $0x40, s19, s4, $0xb8;
	[tilespmem:$0x5C00] =	vst v63  }
0x109: {  	_ =	swait.ge [sflag:s6], $0x2000  }
0x10a: {  	[sflag:s6] =	ssyncset.done $0x0  }
0x10b: {  	[sflag:s6] =	ssyncadd.s32 $0xFFFFE000  }
0x10c: {  	[hbm4b:s2+s4] =	stream.indirect.scatter [tilespmem:s7], [sflag:$0x2], $0x40, s18, s4, $0xb8;
	[tilespmem:$0x5C00] =	vst v63  }
0x10d: {  	_ =	swait.ge [sflag:s5], $0x2000  }
0x10e: {  	[sflag:s5] =	ssyncset.done $0x0  }
0x10f: {  	[sflag:s5] =	ssyncadd.s32 $0xFFFFE000  }
0x110: {  	[tilespmem:s8], [sflag:$0x1] =	stream.indirect.gather [hbm4b:s3+s4], $0x40, s17, s4, $0xb8;
	[tilespmem:$0x5C00] =	vst v63  }
0x111: {  	_ =	swait.ge [sflag:s6], $0x2000  }
0x112: {  	[sflag:s6] =	ssyncset.done $0x0  }
0x113: {  	s1 =	simm.s32 $0x1A00;
	[sflag:s6] =	ssyncadd.s32 $0xFFFFE000  }
0x114: {  	[hbm4b:s2+s4] =	stream.indirect.scatter [tilespmem:s8], [sflag:$0x2], $0x40, s1, s4, $0xb8;
	[tilespmem:$0x5C00] =	vst v63  }
0x115: {  	_ =	swait.ge [sflag:s5], $0x2000  }
0x116: {  	[sflag:s5] =	ssyncset.done $0x0  }
0x117: {  	[sflag:s5] =	ssyncadd.s32 $0xFFFFE000  }
0x118: {  	[tilespmem:s7], [sflag:$0x1] =	stream.indirect.gather [hbm4b:s3+s4], $0x40, s16, s4, $0xb8;
	[tilespmem:$0x5C00] =	vst v63  }
0x119: {  	_ =	swait.ge [sflag:s6], $0x2000  }
0x11a: {  	[sflag:s6] =	ssyncset.done $0x0  }
0x11b: {  	[sflag:s6] =	ssyncadd.s32 $0xFFFFE000  }
0x11c: {  	[hbm4b:s2+s4] =	stream.indirect.scatter [tilespmem:s7], [sflag:$0x2], $0x40, s14, s4, $0xb8;
	[tilespmem:$0x5C00] =	vst v63  }
0x11d: {  	_ =	swait.ge [sflag:s5], $0x2000  }
0x11e: {  	[sflag:s5] =	ssyncset.done $0x0  }
0x11f: {  	[sflag:s5] =	ssyncadd.s32 $0xFFFFE000  }
0x120: {  	[tilespmem:s8], [sflag:$0x1] =	stream.indirect.gather [hbm4b:s3+s4], $0x40, s13, s4, $0xb8;
	[tilespmem:$0x5C00] =	vst v63  }
0x121: {  	_ =	swait.ge [sflag:s6], $0x2000  }
0x122: {  	[sflag:s6] =	ssyncset.done $0x0  }
0x123: {  	[sflag:s6] =	ssyncadd.s32 $0xFFFFE000  }
0x124: {  	[hbm4b:s2+s4] =	stream.indirect.scatter [tilespmem:s8], [sflag:$0x2], $0x40, s12, s4, $0xb8;
	[tilespmem:$0x5C00] =	vst v63  }
0x125: {  	_ =	swait.ge [sflag:s5], $0x2000  }
0x126: {  	[sflag:s5] =	ssyncset.done $0x0  }
0x127: {  	[sflag:s5] =	ssyncadd.s32 $0xFFFFE000  }
0x128: {  	[tilespmem:s7], [sflag:$0x1] =	stream.indirect.gather [hbm4b:s3+s4], $0x40, s11, s4, $0xb8;
	[tilespmem:$0x5C00] =	vst v63  }
0x129: {  	_ =	swait.ge [sflag:s6], $0x2000  }
0x12a: {  	[sflag:s6] =	ssyncset.done $0x0  }
0x12b: {  	p1 =	sne.s32 s9, $0x1;
	[sflag:s6] =	ssyncadd.s32 $0xFFFFE000  }
0x12c: {  	[hbm4b:s2+s4] =	stream.indirect.scatter [tilespmem:s7], [sflag:$0x2], $0x40, s10, s4, $0xb8;
	[tilespmem:$0x5C00] =	vst v63  }
.Ltmp1:
0x12d: {  	_ =	swait.ge [sflag:s5], $0x2000;
	(pc) =	sbr.rel @!p1 .LBB2_3-.Ltmp1, $4  }
0x12e: {  	[sflag:s5] =	ssyncset.done $0x0  }
0x12f: {  	[sflag:s5] =	ssyncadd.s32 $0xFFFFE000  }
0x130: {  	p0 =	por $0x1, $0x1;
	_ =	swait.ge [sflag:s5], $0x2000  }
0x131: {  	s1 =	sadd.s32 $0xFFFFFFFF, s9;
	s0 =	rddreg [dreg:$0x6];
	[sflag:s5] =	ssyncset.done $0x0  }
.LBB2_4:
0x132: {  	[sflag:s5] =	ssyncadd.s32 $0xFFFFE000  }
0x133: {  	[tilespmem:s25], [sflag:$0x3] =	stream.linear.gather [hbm4b:s0+s25], $0x200, $0x38;
	[tilespmem:$0x5C00] =	vst v63  }
0x134: {  	_ =	swait.ge [sflag:s30], $0x200  }
0x135: {  	[sflag:s30] =	ssyncset.done $0x0  }
0x136: {  	s9 =	rddreg [dreg:$0x7];
	[sflag:s30] =	ssyncadd.s32 $0xFFFFFE00  }
0x137: {  	[tilespmem:s29], [sflag:$0x3] =	stream.linear.gather [hbm4b:s9+s25], $0x200, $0x38;
	[tilespmem:$0x5C00] =	vst v63  }
0x138: {  	_ =	swait.ge [sflag:s30], $0x200  }
0x139: {  	[sflag:s30] =	ssyncset.done $0x0  }
0x13a: {  	s9 =	rddreg [dreg:$0x8];
	[sflag:s30] =	ssyncadd.s32 $0xFFFFFE00  }
0x13b: {  	[tilespmem:s26], [sflag:$0x3] =	stream.linear.gather [hbm4b:s9+s25], $0xA00, $0x38;
	[tilespmem:$0x5C00] =	vst v63  }
0x13c: {  	_ =	swait.ge [sflag:s30], $0xA00  }
0x13d: {  	[sflag:s30] =	ssyncset.done $0x0  }
0x13e: {  	s9 =	rddreg [dreg:$0x9];
	[sflag:s30] =	ssyncadd.s32 $0xFFFFF600  }
0x13f: {  	[tilespmem:s31], [sflag:$0x3] =	stream.linear.gather [hbm4b:s9+s25], $0xE00, $0x38;
	[tilespmem:$0x5C00] =	vst v63  }
0x140: {  	_ =	swait.ge [sflag:s30], $0xE00  }
0x141: {  	[sflag:s30] =	ssyncset.done $0x0  }
0x142: {  	[sflag:s30] =	ssyncadd.s32 $0xFFFFF200  }
0x143: {  	[tilespmem:s8], [sflag:$0x1] =	stream.indirect.gather [hbm4b:s28+s4], $0x40, s25, s4, $0xb8;
	[tilespmem:$0x5C00] =	vst v63  }
0x144: {  	_ =	swait.ge [sflag:s6], $0x2000  }
0x145: {  	[sflag:s6] =	ssyncset.done $0x0  }
0x146: {  	[sflag:s6] =	ssyncadd.s32 $0xFFFFE000  }
0x147: {  	[hbm4b:s2+s4] =	stream.indirect.scatter [tilespmem:s8], [sflag:$0x2], $0x40, s31, s4, $0xb8;
	[tilespmem:$0x5C00] =	vst v63  }
0x148: {  	_ = 	snop  }
0x149: {  	[tilespmem:s7], [sflag:$0x1] =	stream.indirect.gather [hbm4b:s28+s4], $0x40, s4, s4, $0xb8;
	[tilespmem:$0x5C00] =	vst v63  }
0x14a: {  	_ =	swait.ge [sflag:s6], $0x2000  }
0x14b: {  	[sflag:s6] =	ssyncset.done $0x0  }
0x14c: {  	s9 =	rddreg [dreg:$0xa];
	[sflag:s6] =	ssyncadd.s32 $0xFFFFE000  }
0x14d: {  	[hbm4b:s2+s4] =	stream.indirect.scatter [tilespmem:s7], [sflag:$0x2], $0x40, s9, s4, $0xb8;
	[tilespmem:$0x5C00] =	vst v63  }
0x14e: {  	_ =	swait.ge [sflag:s5], $0x2000  }
0x14f: {  	[sflag:s5] =	ssyncset.done $0x0  }
0x150: {  	s9 =	rddreg [dreg:$0xb];
	[sflag:s5] =	ssyncadd.s32 $0xFFFFE000  }
0x151: {  	[tilespmem:s8], [sflag:$0x1] =	stream.indirect.gather [hbm4b:s28+s4], $0x40, s9, s4, $0xb8;
	[tilespmem:$0x5C00] =	vst v63  }
0x152: {  	_ =	swait.ge [sflag:s6], $0x2000  }
0x153: {  	[sflag:s6] =	ssyncset.done $0x0  }
0x154: {  	s9 =	rddreg [dreg:$0xc];
	[sflag:s6] =	ssyncadd.s32 $0xFFFFE000  }
0x155: {  	[hbm4b:s2+s4] =	stream.indirect.scatter [tilespmem:s8], [sflag:$0x2], $0x40, s9, s4, $0xb8;
	[tilespmem:$0x5C00] =	vst v63  }
0x156: {  	_ =	swait.ge [sflag:s5], $0x2000  }
0x157: {  	[sflag:s5] =	ssyncset.done $0x0  }
0x158: {  	s9 =	rddreg [dreg:$0xd];
	[sflag:s5] =	ssyncadd.s32 $0xFFFFE000  }
0x159: {  	[tilespmem:s7], [sflag:$0x1] =	stream.indirect.gather [hbm4b:s28+s4], $0x40, s9, s4, $0xb8;
	[tilespmem:$0x5C00] =	vst v63  }
0x15a: {  	_ =	swait.ge [sflag:s6], $0x2000  }
0x15b: {  	[sflag:s6] =	ssyncset.done $0x0  }
0x15c: {  	s9 =	rddreg [dreg:$0xe];
	[sflag:s6] =	ssyncadd.s32 $0xFFFFE000  }
0x15d: {  	[hbm4b:s2+s4] =	stream.indirect.scatter [tilespmem:s7], [sflag:$0x2], $0x40, s9, s4, $0xb8;
	[tilespmem:$0x5C00] =	vst v63  }
0x15e: {  	_ =	swait.ge [sflag:s5], $0x2000  }
0x15f: {  	[sflag:s5] =	ssyncset.done $0x0  }
0x160: {  	[sflag:s5] =	ssyncadd.s32 $0xFFFFE000  }
0x161: {  	_ =	swait.ge [sflag:s5], $0x2000  }
0x162: {  	[sflag:s5] =	ssyncset.done $0x0  }
0x163: {  	[sflag:s5] =	ssyncadd.s32 $0xFFFFE000  }
0x164: {  	[tilespmem:s8], [sflag:$0x1] =	stream.indirect.gather [hbm4b:s3+s4], $0x40, s29, s4, $0xb8;
	[tilespmem:$0x5C00] =	vst v63  }
0x165: {  	_ =	swait.ge [sflag:s6], $0x2000  }
0x166: {  	[sflag:s6] =	ssyncset.done $0x0  }
0x167: {  	s0 =	rddreg [dreg:$0xf];
	[sflag:s6] =	ssyncadd.s32 $0xFFFFE000  }
0x168: {  	[hbm4b:s2+s4] =	stream.indirect.scatter [tilespmem:s8], [sflag:$0x2], $0x40, s0, s4, $0xb8;
	[tilespmem:$0x5C00] =	vst v63  }
0x169: {  	s9 =	rddreg [dreg:$0x10]  }
0x16a: {  	[tilespmem:s7], [sflag:$0x1] =	stream.indirect.gather [hbm4b:s3+s4], $0x40, s9, s4, $0xb8;
	[tilespmem:$0x5C00] =	vst v63  }
0x16b: {  	_ =	swait.ge [sflag:s6], $0x2000  }
0x16c: {  	[sflag:s6] =	ssyncset.done $0x0  }
0x16d: {  	s9 =	rddreg [dreg:$0x11];
	[sflag:s6] =	ssyncadd.s32 $0xFFFFE000  }
0x16e: {  	[hbm4b:s2+s4] =	stream.indirect.scatter [tilespmem:s7], [sflag:$0x2], $0x40, s9, s4, $0xb8;
	[tilespmem:$0x5C00] =	vst v63  }
0x16f: {  	_ =	swait.ge [sflag:s5], $0x2000  }
0x170: {  	[sflag:s5] =	ssyncset.done $0x0  }
0x171: {  	s9 =	rddreg [dreg:$0x12];
	[sflag:s5] =	ssyncadd.s32 $0xFFFFE000  }
0x172: {  	[tilespmem:s8], [sflag:$0x1] =	stream.indirect.gather [hbm4b:s3+s4], $0x40, s9, s4, $0xb8;
	[tilespmem:$0x5C00] =	vst v63  }
0x173: {  	_ =	swait.ge [sflag:s6], $0x2000  }
0x174: {  	[sflag:s6] =	ssyncset.done $0x0  }
0x175: {  	s9 =	rddreg [dreg:$0x13];
	[sflag:s6] =	ssyncadd.s32 $0xFFFFE000  }
0x176: {  	[hbm4b:s2+s4] =	stream.indirect.scatter [tilespmem:s8], [sflag:$0x2], $0x40, s9, s4, $0xb8;
	[tilespmem:$0x5C00] =	vst v63  }
0x177: {  	_ =	swait.ge [sflag:s5], $0x2000  }
0x178: {  	[sflag:s5] =	ssyncset.done $0x0  }
0x179: {  	s9 =	rddreg [dreg:$0x14];
	[sflag:s5] =	ssyncadd.s32 $0xFFFFE000  }
0x17a: {  	[tilespmem:s7], [sflag:$0x1] =	stream.indirect.gather [hbm4b:s3+s4], $0x40, s9, s4, $0xb8;
	[tilespmem:$0x5C00] =	vst v63  }
0x17b: {  	_ =	swait.ge [sflag:s6], $0x2000  }
0x17c: {  	[sflag:s6] =	ssyncset.done $0x0  }
0x17d: {  	s9 =	rddreg [dreg:$0x15];
	[sflag:s6] =	ssyncadd.s32 $0xFFFFE000  }
0x17e: {  	[hbm4b:s2+s4] =	stream.indirect.scatter [tilespmem:s7], [sflag:$0x2], $0x40, s9, s4, $0xb8;
	[tilespmem:$0x5C00] =	vst v63  }
0x17f: {  	_ =	swait.ge [sflag:s5], $0x2000  }
0x180: {  	[sflag:s5] =	ssyncset.done $0x0  }
0x181: {  	[sflag:s5] =	ssyncadd.s32 $0xFFFFE000  }
0x182: {  	_ =	swait.ge [sflag:s5], $0x2000  }
0x183: {  	[sflag:s5] =	ssyncset.done $0x0  }
0x184: {  	[sflag:s5] =	ssyncadd.s32 $0xFFFFE000  }
0x185: {  	[tilespmem:s8], [sflag:$0x1] =	stream.indirect.gather [hbm4b:s3+s4], $0x40, s26, s4, $0xb8;
	[tilespmem:$0x5C00] =	vst v63  }
0x186: {  	_ =	swait.ge [sflag:s6], $0x2000  }
0x187: {  	[sflag:s6] =	ssyncset.done $0x0  }
0x188: {  	s0 =	rddreg [dreg:$0x16];
	[sflag:s6] =	ssyncadd.s32 $0xFFFFE000  }
0x189: {  	[hbm4b:s2+s4] =	stream.indirect.scatter [tilespmem:s8], [sflag:$0x2], $0x40, s0, s4, $0xb8;
	[tilespmem:$0x5C00] =	vst v63  }
0x18a: {  	s9 =	rddreg [dreg:$0x17]  }
0x18b: {  	[tilespmem:s7], [sflag:$0x1] =	stream.indirect.gather [hbm4b:s3+s4], $0x40, s9, s4, $0xb8;
	[tilespmem:$0x5C00] =	vst v63  }
0x18c: {  	_ =	swait.ge [sflag:s6], $0x2000  }
0x18d: {  	[sflag:s6] =	ssyncset.done $0x0  }
0x18e: {  	s9 =	rddreg [dreg:$0x18];
	[sflag:s6] =	ssyncadd.s32 $0xFFFFE000  }
0x18f: {  	[hbm4b:s2+s4] =	stream.indirect.scatter [tilespmem:s7], [sflag:$0x2], $0x40, s9, s4, $0xb8;
	[tilespmem:$0x5C00] =	vst v63  }
0x190: {  	_ =	swait.ge [sflag:s5], $0x2000  }
0x191: {  	[sflag:s5] =	ssyncset.done $0x0  }
0x192: {  	s9 =	rddreg [dreg:$0x19];
	[sflag:s5] =	ssyncadd.s32 $0xFFFFE000  }
0x193: {  	[tilespmem:s8], [sflag:$0x1] =	stream.indirect.gather [hbm4b:s3+s4], $0x40, s9, s4, $0xb8;
	[tilespmem:$0x5C00] =	vst v63  }
0x194: {  	_ =	swait.ge [sflag:s6], $0x2000  }
0x195: {  	[sflag:s6] =	ssyncset.done $0x0  }
0x196: {  	s9 =	rddreg [dreg:$0x1a];
	[sflag:s6] =	ssyncadd.s32 $0xFFFFE000  }
0x197: {  	[hbm4b:s2+s4] =	stream.indirect.scatter [tilespmem:s8], [sflag:$0x2], $0x40, s9, s4, $0xb8;
	[tilespmem:$0x5C00] =	vst v63  }
0x198: {  	_ =	swait.ge [sflag:s5], $0x2000  }
0x199: {  	[sflag:s5] =	ssyncset.done $0x0  }
0x19a: {  	s9 =	rddreg [dreg:$0x1b];
	[sflag:s5] =	ssyncadd.s32 $0xFFFFE000  }
0x19b: {  	[tilespmem:s7], [sflag:$0x1] =	stream.indirect.gather [hbm4b:s3+s4], $0x40, s9, s4, $0xb8;
	[tilespmem:$0x5C00] =	vst v63  }
0x19c: {  	_ =	swait.ge [sflag:s6], $0x2000  }
0x19d: {  	[sflag:s6] =	ssyncset.done $0x0  }
0x19e: {  	s9 =	rddreg [dreg:$0x1c];
	[sflag:s6] =	ssyncadd.s32 $0xFFFFE000  }
0x19f: {  	[hbm4b:s2+s4] =	stream.indirect.scatter [tilespmem:s7], [sflag:$0x2], $0x40, s9, s4, $0xb8;
	[tilespmem:$0x5C00] =	vst v63  }
0x1a0: {  	_ =	swait.ge [sflag:s5], $0x2000  }
0x1a1: {  	[sflag:s5] =	ssyncset.done $0x0  }
0x1a2: {  	s9 =	rddreg [dreg:$0x1d];
	[sflag:s5] =	ssyncadd.s32 $0xFFFFE000  }
0x1a3: {  	[tilespmem:s8], [sflag:$0x1] =	stream.indirect.gather [hbm4b:s3+s4], $0x40, s9, s4, $0xb8;
	[tilespmem:$0x5C00] =	vst v63  }
0x1a4: {  	_ =	swait.ge [sflag:s6], $0x2000  }
0x1a5: {  	[sflag:s6] =	ssyncset.done $0x0  }
0x1a6: {  	s9 =	rddreg [dreg:$0x1e];
	[sflag:s6] =	ssyncadd.s32 $0xFFFFE000  }
0x1a7: {  	[hbm4b:s2+s4] =	stream.indirect.scatter [tilespmem:s8], [sflag:$0x2], $0x40, s9, s4, $0xb8;
	[tilespmem:$0x5C00] =	vst v63  }
0x1a8: {  	_ =	swait.ge [sflag:s5], $0x2000  }
0x1a9: {  	[sflag:s5] =	ssyncset.done $0x0  }
0x1aa: {  	s9 =	rddreg [dreg:$0x1f];
	[sflag:s5] =	ssyncadd.s32 $0xFFFFE000  }
0x1ab: {  	[tilespmem:s7], [sflag:$0x1] =	stream.indirect.gather [hbm4b:s3+s4], $0x40, s9, s4, $0xb8;
	[tilespmem:$0x5C00] =	vst v63  }
0x1ac: {  	_ =	swait.ge [sflag:s6], $0x2000  }
0x1ad: {  	s9 =	sld [smem:$0x7F1]  }
0x1ae: {  	[sflag:s6] =	ssyncset.done $0x0  }
0x1af: {  	[sflag:s6] =	ssyncadd.s32 $0xFFFFE000  }
0x1b0: {  	[hbm4b:s2+s4] =	stream.indirect.scatter [tilespmem:s7], [sflag:$0x2], $0x40, s9, s4, $0xb8;
	[tilespmem:$0x5C00] =	vst v63  }
0x1b1: {  	_ =	swait.ge [sflag:s5], $0x2000  }
0x1b2: {  	s9 =	sld [smem:$0x7F2]  }
0x1b3: {  	[sflag:s5] =	ssyncset.done $0x0  }
0x1b4: {  	[sflag:s5] =	ssyncadd.s32 $0xFFFFE000  }
0x1b5: {  	[tilespmem:s8], [sflag:$0x1] =	stream.indirect.gather [hbm4b:s3+s4], $0x40, s9, s4, $0xb8;
	[tilespmem:$0x5C00] =	vst v63  }
0x1b6: {  	_ =	swait.ge [sflag:s6], $0x2000  }
0x1b7: {  	s9 =	sld [smem:$0x7F3]  }
0x1b8: {  	[sflag:s6] =	ssyncset.done $0x0  }
0x1b9: {  	[sflag:s6] =	ssyncadd.s32 $0xFFFFE000  }
0x1ba: {  	[hbm4b:s2+s4] =	stream.indirect.scatter [tilespmem:s8], [sflag:$0x2], $0x40, s9, s4, $0xb8;
	[tilespmem:$0x5C00] =	vst v63  }
0x1bb: {  	_ =	swait.ge [sflag:s5], $0x2000  }
0x1bc: {  	s9 =	sld [smem:$0x7F4]  }
0x1bd: {  	[sflag:s5] =	ssyncset.done $0x0  }
0x1be: {  	[sflag:s5] =	ssyncadd.s32 $0xFFFFE000  }
0x1bf: {  	[tilespmem:s7], [sflag:$0x1] =	stream.indirect.gather [hbm4b:s3+s4], $0x40, s9, s4, $0xb8;
	[tilespmem:$0x5C00] =	vst v63  }
0x1c0: {  	_ =	swait.ge [sflag:s6], $0x2000  }
0x1c1: {  	s9 =	sld [smem:$0x7F5]  }
0x1c2: {  	[sflag:s6] =	ssyncset.done $0x0  }
0x1c3: {  	[sflag:s6] =	ssyncadd.s32 $0xFFFFE000  }
0x1c4: {  	[hbm4b:s2+s4] =	stream.indirect.scatter [tilespmem:s7], [sflag:$0x2], $0x40, s9, s4, $0xb8;
	[tilespmem:$0x5C00] =	vst v63  }
0x1c5: {  	_ =	swait.ge [sflag:s5], $0x2000  }
0x1c6: {  	s9 =	sld [smem:$0x7F6]  }
0x1c7: {  	[sflag:s5] =	ssyncset.done $0x0  }
0x1c8: {  	[sflag:s5] =	ssyncadd.s32 $0xFFFFE000  }
0x1c9: {  	[tilespmem:s8], [sflag:$0x1] =	stream.indirect.gather [hbm4b:s3+s4], $0x40, s9, s4, $0xb8;
	[tilespmem:$0x5C00] =	vst v63  }
0x1ca: {  	_ =	swait.ge [sflag:s6], $0x2000  }
0x1cb: {  	s9 =	sld [smem:$0x7F7]  }
0x1cc: {  	[sflag:s6] =	ssyncset.done $0x0  }
0x1cd: {  	[sflag:s6] =	ssyncadd.s32 $0xFFFFE000  }
0x1ce: {  	[hbm4b:s2+s4] =	stream.indirect.scatter [tilespmem:s8], [sflag:$0x2], $0x40, s9, s4, $0xb8;
	[tilespmem:$0x5C00] =	vst v63  }
0x1cf: {  	_ =	swait.ge [sflag:s5], $0x2000  }
0x1d0: {  	s9 =	sld [smem:$0x7F8]  }
0x1d1: {  	[sflag:s5] =	ssyncset.done $0x0  }
0x1d2: {  	[sflag:s5] =	ssyncadd.s32 $0xFFFFE000  }
0x1d3: {  	[tilespmem:s7], [sflag:$0x1] =	stream.indirect.gather [hbm4b:s3+s4], $0x40, s9, s4, $0xb8;
	[tilespmem:$0x5C00] =	vst v63  }
0x1d4: {  	_ =	swait.ge [sflag:s6], $0x2000  }
0x1d5: {  	s9 =	sld [smem:$0x7F9]  }
0x1d6: {  	[sflag:s6] =	ssyncset.done $0x0  }
0x1d7: {  	[sflag:s6] =	ssyncadd.s32 $0xFFFFE000  }
0x1d8: {  	[hbm4b:s2+s4] =	stream.indirect.scatter [tilespmem:s7], [sflag:$0x2], $0x40, s9, s4, $0xb8;
	[tilespmem:$0x5C00] =	vst v63  }
0x1d9: {  	_ =	swait.ge [sflag:s5], $0x2000  }
0x1da: {  	s9 =	sld [smem:$0x7FA]  }
0x1db: {  	[sflag:s5] =	ssyncset.done $0x0  }
0x1dc: {  	[sflag:s5] =	ssyncadd.s32 $0xFFFFE000  }
0x1dd: {  	[tilespmem:s8], [sflag:$0x1] =	stream.indirect.gather [hbm4b:s3+s4], $0x40, s9, s4, $0xb8;
	[tilespmem:$0x5C00] =	vst v63  }
0x1de: {  	_ =	swait.ge [sflag:s6], $0x2000  }
0x1df: {  	s9 =	sld [smem:$0x7FB]  }
0x1e0: {  	[sflag:s6] =	ssyncset.done $0x0  }
0x1e1: {  	[sflag:s6] =	ssyncadd.s32 $0xFFFFE000  }
0x1e2: {  	[hbm4b:s2+s4] =	stream.indirect.scatter [tilespmem:s8], [sflag:$0x2], $0x40, s9, s4, $0xb8;
	[tilespmem:$0x5C00] =	vst v63  }
0x1e3: {  	_ =	swait.ge [sflag:s5], $0x2000  }
0x1e4: {  	s9 =	sld [smem:$0x7FC]  }
0x1e5: {  	[sflag:s5] =	ssyncset.done $0x0  }
0x1e6: {  	[sflag:s5] =	ssyncadd.s32 $0xFFFFE000  }
0x1e7: {  	[tilespmem:s7], [sflag:$0x1] =	stream.indirect.gather [hbm4b:s3+s4], $0x40, s9, s4, $0xb8;
	[tilespmem:$0x5C00] =	vst v63  }
0x1e8: {  	_ =	swait.ge [sflag:s6], $0x2000  }
0x1e9: {  	s9 =	sld [smem:$0x7FD]  }
0x1ea: {  	[sflag:s6] =	ssyncset.done $0x0  }
0x1eb: {  	[sflag:s6] =	ssyncadd.s32 $0xFFFFE000  }
0x1ec: {  	[hbm4b:s2+s4] =	stream.indirect.scatter [tilespmem:s7], [sflag:$0x2], $0x40, s9, s4, $0xb8;
	[tilespmem:$0x5C00] =	vst v63  }
0x1ed: {  	_ =	swait.ge [sflag:s5], $0x2000  }
0x1ee: {  	[sflag:s5] =	ssyncset.done $0x0  }
0x1ef: {  	[sflag:s5] =	ssyncadd.s32 $0xFFFFE000  }
0x1f0: {  	[tilespmem:s8], [sflag:$0x1] =	stream.indirect.gather [hbm4b:s3+s4], $0x40, s15, s4, $0xb8;
	[tilespmem:$0x5C00] =	vst v63  }
0x1f1: {  	_ =	swait.ge [sflag:s6], $0x2000  }
0x1f2: {  	[sflag:s6] =	ssyncset.done $0x0  }
0x1f3: {  	[sflag:s6] =	ssyncadd.s32 $0xFFFFE000  }
0x1f4: {  	[hbm4b:s2+s4] =	stream.indirect.scatter [tilespmem:s8], [sflag:$0x2], $0x40, s24, s4, $0xb8;
	[tilespmem:$0x5C00] =	vst v63  }
0x1f5: {  	_ =	swait.ge [sflag:s5], $0x2000  }
0x1f6: {  	[sflag:s5] =	ssyncset.done $0x0  }
0x1f7: {  	[sflag:s5] =	ssyncadd.s32 $0xFFFFE000  }
0x1f8: {  	[tilespmem:s7], [sflag:$0x1] =	stream.indirect.gather [hbm4b:s3+s4], $0x40, s23, s4, $0xb8;
	[tilespmem:$0x5C00] =	vst v63  }
0x1f9: {  	_ =	swait.ge [sflag:s6], $0x2000  }
0x1fa: {  	[sflag:s6] =	ssyncset.done $0x0  }
0x1fb: {  	[sflag:s6] =	ssyncadd.s32 $0xFFFFE000  }
0x1fc: {  	[hbm4b:s2+s4] =	stream.indirect.scatter [tilespmem:s7], [sflag:$0x2], $0x40, s22, s4, $0xb8;
	[tilespmem:$0x5C00] =	vst v63  }
0x1fd: {  	_ =	swait.ge [sflag:s5], $0x2000  }
0x1fe: {  	[sflag:s5] =	ssyncset.done $0x0  }
0x1ff: {  	[sflag:s5] =	ssyncadd.s32 $0xFFFFE000  }
0x200: {  	[tilespmem:s8], [sflag:$0x1] =	stream.indirect.gather [hbm4b:s3+s4], $0x40, s21, s4, $0xb8;
	[tilespmem:$0x5C00] =	vst v63  }
0x201: {  	_ =	swait.ge [sflag:s6], $0x2000  }
0x202: {  	[sflag:s6] =	ssyncset.done $0x0  }
0x203: {  	[sflag:s6] =	ssyncadd.s32 $0xFFFFE000  }
0x204: {  	[hbm4b:s2+s4] =	stream.indirect.scatter [tilespmem:s8], [sflag:$0x2], $0x40, s20, s4, $0xb8;
	[tilespmem:$0x5C00] =	vst v63  }
0x205: {  	_ =	swait.ge [sflag:s5], $0x2000  }
0x206: {  	[sflag:s5] =	ssyncset.done $0x0  }
0x207: {  	[sflag:s5] =	ssyncadd.s32 $0xFFFFE000  }
0x208: {  	[tilespmem:s7], [sflag:$0x1] =	stream.indirect.gather [hbm4b:s3+s4], $0x40, s19, s4, $0xb8;
	[tilespmem:$0x5C00] =	vst v63  }
0x209: {  	_ =	swait.ge [sflag:s6], $0x2000  }
0x20a: {  	[sflag:s6] =	ssyncset.done $0x0  }
0x20b: {  	[sflag:s6] =	ssyncadd.s32 $0xFFFFE000  }
0x20c: {  	[hbm4b:s2+s4] =	stream.indirect.scatter [tilespmem:s7], [sflag:$0x2], $0x40, s18, s4, $0xb8;
	[tilespmem:$0x5C00] =	vst v63  }
0x20d: {  	_ =	swait.ge [sflag:s5], $0x2000  }
0x20e: {  	[sflag:s5] =	ssyncset.done $0x0  }
0x20f: {  	[sflag:s5] =	ssyncadd.s32 $0xFFFFE000  }
0x210: {  	[tilespmem:s8], [sflag:$0x1] =	stream.indirect.gather [hbm4b:s3+s4], $0x40, s17, s4, $0xb8;
	[tilespmem:$0x5C00] =	vst v63  }
0x211: {  	_ =	swait.ge [sflag:s6], $0x2000  }
0x212: {  	[sflag:s6] =	ssyncset.done $0x0  }
0x213: {  	s9 =	simm.s32 $0x1A00;
	[sflag:s6] =	ssyncadd.s32 $0xFFFFE000  }
0x214: {  	[hbm4b:s2+s4] =	stream.indirect.scatter [tilespmem:s8], [sflag:$0x2], $0x40, s9, s4, $0xb8;
	[tilespmem:$0x5C00] =	vst v63  }
0x215: {  	_ =	swait.ge [sflag:s5], $0x2000  }
0x216: {  	[sflag:s5] =	ssyncset.done $0x0  }
0x217: {  	[sflag:s5] =	ssyncadd.s32 $0xFFFFE000  }
0x218: {  	[tilespmem:s7], [sflag:$0x1] =	stream.indirect.gather [hbm4b:s3+s4], $0x40, s16, s4, $0xb8;
	[tilespmem:$0x5C00] =	vst v63  }
0x219: {  	_ =	swait.ge [sflag:s6], $0x2000  }
0x21a: {  	[sflag:s6] =	ssyncset.done $0x0  }
0x21b: {  	[sflag:s6] =	ssyncadd.s32 $0xFFFFE000  }
0x21c: {  	[hbm4b:s2+s4] =	stream.indirect.scatter [tilespmem:s7], [sflag:$0x2], $0x40, s14, s4, $0xb8;
	[tilespmem:$0x5C00] =	vst v63  }
0x21d: {  	_ =	swait.ge [sflag:s5], $0x2000  }
0x21e: {  	[sflag:s5] =	ssyncset.done $0x0  }
0x21f: {  	[sflag:s5] =	ssyncadd.s32 $0xFFFFE000  }
0x220: {  	[tilespmem:s8], [sflag:$0x1] =	stream.indirect.gather [hbm4b:s3+s4], $0x40, s13, s4, $0xb8;
	[tilespmem:$0x5C00] =	vst v63  }
0x221: {  	_ =	swait.ge [sflag:s6], $0x2000  }
0x222: {  	[sflag:s6] =	ssyncset.done $0x0  }
0x223: {  	[sflag:s6] =	ssyncadd.s32 $0xFFFFE000  }
0x224: {  	[hbm4b:s2+s4] =	stream.indirect.scatter [tilespmem:s8], [sflag:$0x2], $0x40, s12, s4, $0xb8;
	[tilespmem:$0x5C00] =	vst v63  }
0x225: {  	_ =	swait.ge [sflag:s5], $0x2000  }
0x226: {  	[sflag:s5] =	ssyncset.done $0x0  }
0x227: {  	[sflag:s5] =	ssyncadd.s32 $0xFFFFE000  }
0x228: {  	[tilespmem:s7], [sflag:$0x1] =	stream.indirect.gather [hbm4b:s3+s4], $0x40, s11, s4, $0xb8;
	[tilespmem:$0x5C00] =	vst v63  }
0x229: {  	_ =	swait.ge [sflag:s6], $0x2000  }
0x22a: {  	[sflag:s6] =	ssyncset.done $0x0  }
0x22b: {  	p1 =	sne.s32 s1, $0x1;
	[sflag:s6] =	ssyncadd.s32 $0xFFFFE000  }
0x22c: {  	[hbm4b:s2+s4] =	stream.indirect.scatter [tilespmem:s7], [sflag:$0x2], $0x40, s10, s4, $0xb8;
	[tilespmem:$0x5C00] =	vst v63  }
.Ltmp2:
0x22d: {  	_ =	swait.ge [sflag:s5], $0x2000;
	(pc) =	sbr.rel @p1 .LBB2_4-.Ltmp2, $4  }
0x22e: {  	[sflag:s5] =	ssyncset.done $0x0  }
0x22f: {  	[sflag:s5] =	ssyncadd.s32 $0xFFFFE000  }
0x230: {  	_ =	swait.ge [sflag:s5], $0x2000  }
0x231: {  	s1 =	sadd.s32 $0xFFFFFFFF, s1;
	s0 =	rddreg [dreg:$0x6];
	[sflag:s5] =	ssyncset.done $0x0  }
0x232: {  	s10 =	simm.s32 $0xA00  }
0x233: {  	s24 =	simm.s32 $0x1800;
	s23 =	simm.s32 $0xA80;
	s22 =	simm.s32 $0x1880  }
0x234: {  	s21 =	simm.s32 $0xB00;
	s20 =	simm.s32 $0x1900;
	s19 =	simm.s32 $0xB80  }
0x235: {  	s18 =	simm.s32 $0x1980;
	s17 =	simm.s32 $0xC00;
	s16 =	simm.s32 $0xC80  }
0x236: {  	s15 =	simm.s32 $0x1A00;
	s14 =	simm.s32 $0x1A80;
	s13 =	simm.s32 $0xD00  }
0x237: {  	s12 =	simm.s32 $0x1B00;
	s11 =	simm.s32 $0xD80;
	s9 =	stileid.u32  }
.LBB2_6:
0x238: {  	[sflag:s5] =	ssyncadd.s32 @p0 $0xFFFFE000  }
0x239: {  	[tilespmem:s25], [sflag:$0x3] =	stream.linear.gather [hbm4b:s0+s25], $0x200, $0x38;
	[tilespmem:$0x5C00] =	vst v63  }
0x23a: {  	_ =	swait.ge [sflag:s30], $0x200  }
0x23b: {  	[sflag:s30] =	ssyncset.done $0x0  }
0x23c: {  	s1 =	rddreg [dreg:$0x7];
	[sflag:s30] =	ssyncadd.s32 $0xFFFFFE00  }
0x23d: {  	[tilespmem:s29], [sflag:$0x3] =	stream.linear.gather [hbm4b:s1+s25], $0x200, $0x38;
	[tilespmem:$0x5C00] =	vst v63  }
0x23e: {  	_ =	swait.ge [sflag:s30], $0x200  }
0x23f: {  	[sflag:s30] =	ssyncset.done $0x0  }
0x240: {  	s1 =	rddreg [dreg:$0x8];
	[sflag:s30] =	ssyncadd.s32 $0xFFFFFE00  }
0x241: {  	[tilespmem:s26], [sflag:$0x3] =	stream.linear.gather [hbm4b:s1+s25], $0xA00, $0x38;
	[tilespmem:$0x5C00] =	vst v63  }
0x242: {  	_ =	swait.ge [sflag:s30], $0xA00  }
0x243: {  	[sflag:s30] =	ssyncset.done $0x0  }
0x244: {  	s1 =	rddreg [dreg:$0x9];
	[sflag:s30] =	ssyncadd.s32 $0xFFFFF600  }
0x245: {  	[tilespmem:s31], [sflag:$0x3] =	stream.linear.gather [hbm4b:s1+s25], $0xE00, $0x38;
	[tilespmem:$0x5C00] =	vst v63  }
0x246: {  	_ =	swait.ge [sflag:s30], $0xE00  }
0x247: {  	[sflag:s30] =	ssyncset.done $0x0  }
0x248: {  	[sflag:s30] =	ssyncadd.s32 $0xFFFFF200  }
0x249: {  	[tilespmem:s8], [sflag:$0x1] =	stream.indirect.gather [hbm4b:s28+s4], $0x40, s25, s4, $0xb8;
	[tilespmem:$0x5C00] =	vst v63  }
0x24a: {  	_ =	swait.ge [sflag:s6], $0x2000  }
0x24b: {  	[sflag:s6] =	ssyncset.done $0x0  }
0x24c: {  	[sflag:s6] =	ssyncadd.s32 $0xFFFFE000  }
0x24d: {  	[hbm4b:s2+s4] =	stream.indirect.scatter [tilespmem:s8], [sflag:$0x2], $0x40, s31, s4, $0xb8;
	[tilespmem:$0x5C00] =	vst v63  }
0x24e: {  	_ = 	snop  }
0x24f: {  	[tilespmem:s7], [sflag:$0x1] =	stream.indirect.gather [hbm4b:s28+s4], $0x40, s4, s4, $0xb8;
	[tilespmem:$0x5C00] =	vst v63  }
0x250: {  	_ =	swait.ge [sflag:s6], $0x2000  }
0x251: {  	[sflag:s6] =	ssyncset.done $0x0  }
0x252: {  	s30 =	rddreg [dreg:$0xa];
	[sflag:s6] =	ssyncadd.s32 $0xFFFFE000  }
0x253: {  	[hbm4b:s2+s4] =	stream.indirect.scatter [tilespmem:s7], [sflag:$0x2], $0x40, s30, s4, $0xb8;
	[tilespmem:$0x5C00] =	vst v63  }
0x254: {  	_ =	swait.ge [sflag:s5], $0x2000  }
0x255: {  	[sflag:s5] =	ssyncset.done $0x0  }
0x256: {  	s31 =	rddreg [dreg:$0xb];
	[sflag:s5] =	ssyncadd.s32 $0xFFFFE000  }
0x257: {  	[tilespmem:s8], [sflag:$0x1] =	stream.indirect.gather [hbm4b:s28+s4], $0x40, s31, s4, $0xb8;
	[tilespmem:$0x5C00] =	vst v63  }
0x258: {  	_ =	swait.ge [sflag:s6], $0x2000  }
0x259: {  	[sflag:s6] =	ssyncset.done $0x0  }
0x25a: {  	s1 =	rddreg [dreg:$0xc];
	[sflag:s6] =	ssyncadd.s32 $0xFFFFE000  }
0x25b: {  	[hbm4b:s2+s4] =	stream.indirect.scatter [tilespmem:s8], [sflag:$0x2], $0x40, s1, s4, $0xb8;
	[tilespmem:$0x5C00] =	vst v63  }
0x25c: {  	_ =	swait.ge [sflag:s5], $0x2000  }
0x25d: {  	[sflag:s5] =	ssyncset.done $0x0  }
0x25e: {  	s25 =	rddreg [dreg:$0xd];
	[sflag:s5] =	ssyncadd.s32 $0xFFFFE000  }
0x25f: {  	[tilespmem:s7], [sflag:$0x1] =	stream.indirect.gather [hbm4b:s28+s4], $0x40, s25, s4, $0xb8;
	[tilespmem:$0x5C00] =	vst v63  }
0x260: {  	_ =	swait.ge [sflag:s6], $0x2000  }
0x261: {  	[sflag:s6] =	ssyncset.done $0x0  }
0x262: {  	s28 =	rddreg [dreg:$0xe];
	[sflag:s6] =	ssyncadd.s32 $0xFFFFE000  }
0x263: {  	[hbm4b:s2+s4] =	stream.indirect.scatter [tilespmem:s7], [sflag:$0x2], $0x40, s28, s4, $0xb8;
	[tilespmem:$0x5C00] =	vst v63  }
0x264: {  	_ =	swait.ge [sflag:s5], $0x2000  }
0x265: {  	[sflag:s5] =	ssyncset.done $0x0  }
0x266: {  	[sflag:s5] =	ssyncadd.s32 $0xFFFFE000  }
0x267: {  	_ =	swait.ge [sflag:s5], $0x2000  }
0x268: {  	[sflag:s5] =	ssyncset.done $0x0  }
0x269: {  	[sflag:s5] =	ssyncadd.s32 $0xFFFFE000  }
0x26a: {  	[tilespmem:s8], [sflag:$0x1] =	stream.indirect.gather [hbm4b:s3+s4], $0x40, s29, s4, $0xb8;
	[tilespmem:$0x5C00] =	vst v63  }
0x26b: {  	_ =	swait.ge [sflag:s6], $0x2000  }
0x26c: {  	[sflag:s6] =	ssyncset.done $0x0  }
0x26d: {  	s29 =	rddreg [dreg:$0xf];
	[sflag:s6] =	ssyncadd.s32 $0xFFFFE000  }
0x26e: {  	[hbm4b:s2+s4] =	stream.indirect.scatter [tilespmem:s8], [sflag:$0x2], $0x40, s29, s4, $0xb8;
	[tilespmem:$0x5C00] =	vst v63  }
0x26f: {  	s1 =	rddreg [dreg:$0x10]  }
0x270: {  	[tilespmem:s7], [sflag:$0x1] =	stream.indirect.gather [hbm4b:s3+s4], $0x40, s1, s4, $0xb8;
	[tilespmem:$0x5C00] =	vst v63  }
0x271: {  	_ =	swait.ge [sflag:s6], $0x2000  }
0x272: {  	[sflag:s6] =	ssyncset.done $0x0  }
0x273: {  	s30 =	rddreg [dreg:$0x11];
	[sflag:s6] =	ssyncadd.s32 $0xFFFFE000  }
0x274: {  	[hbm4b:s2+s4] =	stream.indirect.scatter [tilespmem:s7], [sflag:$0x2], $0x40, s30, s4, $0xb8;
	[tilespmem:$0x5C00] =	vst v63  }
0x275: {  	_ =	swait.ge [sflag:s5], $0x2000  }
0x276: {  	[sflag:s5] =	ssyncset.done $0x0  }
0x277: {  	s31 =	rddreg [dreg:$0x12];
	[sflag:s5] =	ssyncadd.s32 $0xFFFFE000  }
0x278: {  	[tilespmem:s8], [sflag:$0x1] =	stream.indirect.gather [hbm4b:s3+s4], $0x40, s31, s4, $0xb8;
	[tilespmem:$0x5C00] =	vst v63  }
0x279: {  	_ =	swait.ge [sflag:s6], $0x2000  }
0x27a: {  	[sflag:s6] =	ssyncset.done $0x0  }
0x27b: {  	s1 =	rddreg [dreg:$0x13];
	[sflag:s6] =	ssyncadd.s32 $0xFFFFE000  }
0x27c: {  	[hbm4b:s2+s4] =	stream.indirect.scatter [tilespmem:s8], [sflag:$0x2], $0x40, s1, s4, $0xb8;
	[tilespmem:$0x5C00] =	vst v63  }
0x27d: {  	_ =	swait.ge [sflag:s5], $0x2000  }
0x27e: {  	[sflag:s5] =	ssyncset.done $0x0  }
0x27f: {  	s25 =	rddreg [dreg:$0x14];
	[sflag:s5] =	ssyncadd.s32 $0xFFFFE000  }
0x280: {  	[tilespmem:s7], [sflag:$0x1] =	stream.indirect.gather [hbm4b:s3+s4], $0x40, s25, s4, $0xb8;
	[tilespmem:$0x5C00] =	vst v63  }
0x281: {  	_ =	swait.ge [sflag:s6], $0x2000  }
0x282: {  	[sflag:s6] =	ssyncset.done $0x0  }
0x283: {  	s28 =	rddreg [dreg:$0x15];
	[sflag:s6] =	ssyncadd.s32 $0xFFFFE000  }
0x284: {  	[hbm4b:s2+s4] =	stream.indirect.scatter [tilespmem:s7], [sflag:$0x2], $0x40, s28, s4, $0xb8;
	[tilespmem:$0x5C00] =	vst v63  }
0x285: {  	_ =	swait.ge [sflag:s5], $0x2000  }
0x286: {  	[sflag:s5] =	ssyncset.done $0x0  }
0x287: {  	[sflag:s5] =	ssyncadd.s32 $0xFFFFE000  }
0x288: {  	_ =	swait.ge [sflag:s5], $0x2000  }
0x289: {  	[sflag:s5] =	ssyncset.done $0x0  }
0x28a: {  	[sflag:s5] =	ssyncadd.s32 $0xFFFFE000  }
0x28b: {  	[tilespmem:s8], [sflag:$0x1] =	stream.indirect.gather [hbm4b:s3+s4], $0x40, s26, s4, $0xb8;
	[tilespmem:$0x5C00] =	vst v63  }
0x28c: {  	_ =	swait.ge [sflag:s6], $0x2000  }
0x28d: {  	[sflag:s6] =	ssyncset.done $0x0  }
0x28e: {  	s29 =	rddreg [dreg:$0x16];
	[sflag:s6] =	ssyncadd.s32 $0xFFFFE000  }
0x28f: {  	[hbm4b:s2+s4] =	stream.indirect.scatter [tilespmem:s8], [sflag:$0x2], $0x40, s29, s4, $0xb8;
	[tilespmem:$0x5C00] =	vst v63  }
0x290: {  	s30 =	rddreg [dreg:$0x17]  }
0x291: {  	[tilespmem:s7], [sflag:$0x1] =	stream.indirect.gather [hbm4b:s3+s4], $0x40, s30, s4, $0xb8;
	[tilespmem:$0x5C00] =	vst v63  }
0x292: {  	_ =	swait.ge [sflag:s6], $0x2000  }
0x293: {  	[sflag:s6] =	ssyncset.done $0x0  }
0x294: {  	s31 =	rddreg [dreg:$0x18];
	[sflag:s6] =	ssyncadd.s32 $0xFFFFE000  }
0x295: {  	[hbm4b:s2+s4] =	stream.indirect.scatter [tilespmem:s7], [sflag:$0x2], $0x40, s31, s4, $0xb8;
	[tilespmem:$0x5C00] =	vst v63  }
0x296: {  	_ =	swait.ge [sflag:s5], $0x2000  }
0x297: {  	[sflag:s5] =	ssyncset.done $0x0  }
0x298: {  	s1 =	rddreg [dreg:$0x19];
	[sflag:s5] =	ssyncadd.s32 $0xFFFFE000  }
0x299: {  	[tilespmem:s8], [sflag:$0x1] =	stream.indirect.gather [hbm4b:s3+s4], $0x40, s1, s4, $0xb8;
	[tilespmem:$0x5C00] =	vst v63  }
0x29a: {  	_ =	swait.ge [sflag:s6], $0x2000  }
0x29b: {  	[sflag:s6] =	ssyncset.done $0x0  }
0x29c: {  	s25 =	rddreg [dreg:$0x1a];
	[sflag:s6] =	ssyncadd.s32 $0xFFFFE000  }
0x29d: {  	[hbm4b:s2+s4] =	stream.indirect.scatter [tilespmem:s8], [sflag:$0x2], $0x40, s25, s4, $0xb8;
	[tilespmem:$0x5C00] =	vst v63  }
0x29e: {  	_ =	swait.ge [sflag:s5], $0x2000  }
0x29f: {  	[sflag:s5] =	ssyncset.done $0x0  }
0x2a0: {  	s26 =	rddreg [dreg:$0x1b];
	[sflag:s5] =	ssyncadd.s32 $0xFFFFE000  }
0x2a1: {  	[tilespmem:s7], [sflag:$0x1] =	stream.indirect.gather [hbm4b:s3+s4], $0x40, s26, s4, $0xb8;
	[tilespmem:$0x5C00] =	vst v63  }
0x2a2: {  	_ =	swait.ge [sflag:s6], $0x2000  }
0x2a3: {  	[sflag:s6] =	ssyncset.done $0x0  }
0x2a4: {  	s28 =	rddreg [dreg:$0x1c];
	[sflag:s6] =	ssyncadd.s32 $0xFFFFE000  }
0x2a5: {  	[hbm4b:s2+s4] =	stream.indirect.scatter [tilespmem:s7], [sflag:$0x2], $0x40, s28, s4, $0xb8;
	[tilespmem:$0x5C00] =	vst v63  }
0x2a6: {  	_ =	swait.ge [sflag:s5], $0x2000  }
0x2a7: {  	[sflag:s5] =	ssyncset.done $0x0  }
0x2a8: {  	s29 =	rddreg [dreg:$0x1d];
	[sflag:s5] =	ssyncadd.s32 $0xFFFFE000  }
0x2a9: {  	[tilespmem:s8], [sflag:$0x1] =	stream.indirect.gather [hbm4b:s3+s4], $0x40, s29, s4, $0xb8;
	[tilespmem:$0x5C00] =	vst v63  }
0x2aa: {  	_ =	swait.ge [sflag:s6], $0x2000  }
0x2ab: {  	[sflag:s6] =	ssyncset.done $0x0  }
0x2ac: {  	s30 =	rddreg [dreg:$0x1e];
	[sflag:s6] =	ssyncadd.s32 $0xFFFFE000  }
0x2ad: {  	[hbm4b:s2+s4] =	stream.indirect.scatter [tilespmem:s8], [sflag:$0x2], $0x40, s30, s4, $0xb8;
	[tilespmem:$0x5C00] =	vst v63  }
0x2ae: {  	_ =	swait.ge [sflag:s5], $0x2000  }
0x2af: {  	[sflag:s5] =	ssyncset.done $0x0  }
0x2b0: {  	s31 =	rddreg [dreg:$0x1f];
	[sflag:s5] =	ssyncadd.s32 $0xFFFFE000  }
0x2b1: {  	[tilespmem:s7], [sflag:$0x1] =	stream.indirect.gather [hbm4b:s3+s4], $0x40, s31, s4, $0xb8;
	[tilespmem:$0x5C00] =	vst v63  }
0x2b2: {  	_ =	swait.ge [sflag:s6], $0x2000  }
0x2b3: {  	s1 =	sld [smem:$0x7F1]  }
0x2b4: {  	[sflag:s6] =	ssyncset.done $0x0  }
0x2b5: {  	[sflag:s6] =	ssyncadd.s32 $0xFFFFE000  }
0x2b6: {  	[hbm4b:s2+s4] =	stream.indirect.scatter [tilespmem:s7], [sflag:$0x2], $0x40, s1, s4, $0xb8;
	[tilespmem:$0x5C00] =	vst v63  }
0x2b7: {  	_ =	swait.ge [sflag:s5], $0x2000  }
0x2b8: {  	s25 =	sld [smem:$0x7F2]  }
0x2b9: {  	[sflag:s5] =	ssyncset.done $0x0  }
0x2ba: {  	[sflag:s5] =	ssyncadd.s32 $0xFFFFE000  }
0x2bb: {  	[tilespmem:s8], [sflag:$0x1] =	stream.indirect.gather [hbm4b:s3+s4], $0x40, s25, s4, $0xb8;
	[tilespmem:$0x5C00] =	vst v63  }
0x2bc: {  	_ =	swait.ge [sflag:s6], $0x2000  }
0x2bd: {  	s26 =	sld [smem:$0x7F3]  }
0x2be: {  	[sflag:s6] =	ssyncset.done $0x0  }
0x2bf: {  	[sflag:s6] =	ssyncadd.s32 $0xFFFFE000  }
0x2c0: {  	[hbm4b:s2+s4] =	stream.indirect.scatter [tilespmem:s8], [sflag:$0x2], $0x40, s26, s4, $0xb8;
	[tilespmem:$0x5C00] =	vst v63  }
0x2c1: {  	_ =	swait.ge [sflag:s5], $0x2000  }
0x2c2: {  	s28 =	sld [smem:$0x7F4]  }
0x2c3: {  	[sflag:s5] =	ssyncset.done $0x0  }
0x2c4: {  	[sflag:s5] =	ssyncadd.s32 $0xFFFFE000  }
0x2c5: {  	[tilespmem:s7], [sflag:$0x1] =	stream.indirect.gather [hbm4b:s3+s4], $0x40, s28, s4, $0xb8;
	[tilespmem:$0x5C00] =	vst v63  }
0x2c6: {  	_ =	swait.ge [sflag:s6], $0x2000  }
0x2c7: {  	s29 =	sld [smem:$0x7F5]  }
0x2c8: {  	[sflag:s6] =	ssyncset.done $0x0  }
0x2c9: {  	[sflag:s6] =	ssyncadd.s32 $0xFFFFE000  }
0x2ca: {  	[hbm4b:s2+s4] =	stream.indirect.scatter [tilespmem:s7], [sflag:$0x2], $0x40, s29, s4, $0xb8;
	[tilespmem:$0x5C00] =	vst v63  }
0x2cb: {  	_ =	swait.ge [sflag:s5], $0x2000  }
0x2cc: {  	s30 =	sld [smem:$0x7F6]  }
0x2cd: {  	[sflag:s5] =	ssyncset.done $0x0  }
0x2ce: {  	[sflag:s5] =	ssyncadd.s32 $0xFFFFE000  }
0x2cf: {  	[tilespmem:s8], [sflag:$0x1] =	stream.indirect.gather [hbm4b:s3+s4], $0x40, s30, s4, $0xb8;
	[tilespmem:$0x5C00] =	vst v63  }
0x2d0: {  	_ =	swait.ge [sflag:s6], $0x2000  }
0x2d1: {  	s31 =	sld [smem:$0x7F7]  }
0x2d2: {  	[sflag:s6] =	ssyncset.done $0x0  }
0x2d3: {  	[sflag:s6] =	ssyncadd.s32 $0xFFFFE000  }
0x2d4: {  	[hbm4b:s2+s4] =	stream.indirect.scatter [tilespmem:s8], [sflag:$0x2], $0x40, s31, s4, $0xb8;
	[tilespmem:$0x5C00] =	vst v63  }
0x2d5: {  	_ =	swait.ge [sflag:s5], $0x2000  }
0x2d6: {  	s1 =	sld [smem:$0x7F8]  }
0x2d7: {  	[sflag:s5] =	ssyncset.done $0x0  }
0x2d8: {  	[sflag:s5] =	ssyncadd.s32 $0xFFFFE000  }
0x2d9: {  	[tilespmem:s7], [sflag:$0x1] =	stream.indirect.gather [hbm4b:s3+s4], $0x40, s1, s4, $0xb8;
	[tilespmem:$0x5C00] =	vst v63  }
0x2da: {  	_ =	swait.ge [sflag:s6], $0x2000  }
0x2db: {  	s25 =	sld [smem:$0x7F9]  }
0x2dc: {  	[sflag:s6] =	ssyncset.done $0x0  }
0x2dd: {  	[sflag:s6] =	ssyncadd.s32 $0xFFFFE000  }
0x2de: {  	[hbm4b:s2+s4] =	stream.indirect.scatter [tilespmem:s7], [sflag:$0x2], $0x40, s25, s4, $0xb8;
	[tilespmem:$0x5C00] =	vst v63  }
0x2df: {  	_ =	swait.ge [sflag:s5], $0x2000  }
0x2e0: {  	s26 =	sld [smem:$0x7FA]  }
0x2e1: {  	[sflag:s5] =	ssyncset.done $0x0  }
0x2e2: {  	[sflag:s5] =	ssyncadd.s32 $0xFFFFE000  }
0x2e3: {  	[tilespmem:s8], [sflag:$0x1] =	stream.indirect.gather [hbm4b:s3+s4], $0x40, s26, s4, $0xb8;
	[tilespmem:$0x5C00] =	vst v63  }
0x2e4: {  	_ =	swait.ge [sflag:s6], $0x2000  }
0x2e5: {  	s28 =	sld [smem:$0x7FB]  }
0x2e6: {  	[sflag:s6] =	ssyncset.done $0x0  }
0x2e7: {  	[sflag:s6] =	ssyncadd.s32 $0xFFFFE000  }
0x2e8: {  	[hbm4b:s2+s4] =	stream.indirect.scatter [tilespmem:s8], [sflag:$0x2], $0x40, s28, s4, $0xb8;
	[tilespmem:$0x5C00] =	vst v63  }
0x2e9: {  	_ =	swait.ge [sflag:s5], $0x2000  }
0x2ea: {  	s29 =	sld [smem:$0x7FC]  }
0x2eb: {  	[sflag:s5] =	ssyncset.done $0x0  }
0x2ec: {  	[sflag:s5] =	ssyncadd.s32 $0xFFFFE000  }
0x2ed: {  	[tilespmem:s7], [sflag:$0x1] =	stream.indirect.gather [hbm4b:s3+s4], $0x40, s29, s4, $0xb8;
	[tilespmem:$0x5C00] =	vst v63  }
0x2ee: {  	_ =	swait.ge [sflag:s6], $0x2000  }
0x2ef: {  	s30 =	sld [smem:$0x7FD]  }
0x2f0: {  	[sflag:s6] =	ssyncset.done $0x0  }
0x2f1: {  	[sflag:s6] =	ssyncadd.s32 $0xFFFFE000  }
0x2f2: {  	[hbm4b:s2+s4] =	stream.indirect.scatter [tilespmem:s7], [sflag:$0x2], $0x40, s30, s4, $0xb8;
	[tilespmem:$0x5C00] =	vst v63  }
0x2f3: {  	_ =	swait.ge [sflag:s5], $0x2000  }
0x2f4: {  	[sflag:s5] =	ssyncset.done $0x0  }
0x2f5: {  	[sflag:s5] =	ssyncadd.s32 $0xFFFFE000  }
0x2f6: {  	[tilespmem:s8], [sflag:$0x1] =	stream.indirect.gather [hbm4b:s3+s4], $0x40, s10, s4, $0xb8;
	[tilespmem:$0x5C00] =	vst v63  }
0x2f7: {  	_ =	swait.ge [sflag:s6], $0x2000  }
0x2f8: {  	[sflag:s6] =	ssyncset.done $0x0  }
0x2f9: {  	[sflag:s6] =	ssyncadd.s32 $0xFFFFE000  }
0x2fa: {  	[hbm4b:s2+s4] =	stream.indirect.scatter [tilespmem:s8], [sflag:$0x2], $0x40, s24, s4, $0xb8;
	[tilespmem:$0x5C00] =	vst v63  }
0x2fb: {  	_ =	swait.ge [sflag:s5], $0x2000  }
0x2fc: {  	[sflag:s5] =	ssyncset.done $0x0  }
0x2fd: {  	[sflag:s5] =	ssyncadd.s32 $0xFFFFE000  }
0x2fe: {  	[tilespmem:s7], [sflag:$0x1] =	stream.indirect.gather [hbm4b:s3+s4], $0x40, s23, s4, $0xb8;
	[tilespmem:$0x5C00] =	vst v63  }
0x2ff: {  	_ =	swait.ge [sflag:s6], $0x2000  }
0x300: {  	[sflag:s6] =	ssyncset.done $0x0  }
0x301: {  	[sflag:s6] =	ssyncadd.s32 $0xFFFFE000  }
0x302: {  	[hbm4b:s2+s4] =	stream.indirect.scatter [tilespmem:s7], [sflag:$0x2], $0x40, s22, s4, $0xb8;
	[tilespmem:$0x5C00] =	vst v63  }
0x303: {  	_ =	swait.ge [sflag:s5], $0x2000  }
0x304: {  	[sflag:s5] =	ssyncset.done $0x0  }
0x305: {  	[sflag:s5] =	ssyncadd.s32 $0xFFFFE000  }
0x306: {  	[tilespmem:s8], [sflag:$0x1] =	stream.indirect.gather [hbm4b:s3+s4], $0x40, s21, s4, $0xb8;
	[tilespmem:$0x5C00] =	vst v63  }
0x307: {  	_ =	swait.ge [sflag:s6], $0x2000  }
0x308: {  	[sflag:s6] =	ssyncset.done $0x0  }
0x309: {  	[sflag:s6] =	ssyncadd.s32 $0xFFFFE000  }
0x30a: {  	[hbm4b:s2+s4] =	stream.indirect.scatter [tilespmem:s8], [sflag:$0x2], $0x40, s20, s4, $0xb8;
	[tilespmem:$0x5C00] =	vst v63  }
0x30b: {  	_ =	swait.ge [sflag:s5], $0x2000  }
0x30c: {  	[sflag:s5] =	ssyncset.done $0x0  }
0x30d: {  	[sflag:s5] =	ssyncadd.s32 $0xFFFFE000  }
0x30e: {  	[tilespmem:s7], [sflag:$0x1] =	stream.indirect.gather [hbm4b:s3+s4], $0x40, s19, s4, $0xb8;
	[tilespmem:$0x5C00] =	vst v63  }
0x30f: {  	_ =	swait.ge [sflag:s6], $0x2000  }
0x310: {  	[sflag:s6] =	ssyncset.done $0x0  }
0x311: {  	[sflag:s6] =	ssyncadd.s32 $0xFFFFE000  }
0x312: {  	[hbm4b:s2+s4] =	stream.indirect.scatter [tilespmem:s7], [sflag:$0x2], $0x40, s18, s4, $0xb8;
	[tilespmem:$0x5C00] =	vst v63  }
0x313: {  	_ =	swait.ge [sflag:s5], $0x2000  }
0x314: {  	[sflag:s5] =	ssyncset.done $0x0  }
0x315: {  	[sflag:s5] =	ssyncadd.s32 $0xFFFFE000  }
0x316: {  	[tilespmem:s8], [sflag:$0x1] =	stream.indirect.gather [hbm4b:s3+s4], $0x40, s17, s4, $0xb8;
	[tilespmem:$0x5C00] =	vst v63  }
0x317: {  	_ =	swait.ge [sflag:s6], $0x2000  }
0x318: {  	[sflag:s6] =	ssyncset.done $0x0  }
0x319: {  	[sflag:s6] =	ssyncadd.s32 $0xFFFFE000  }
0x31a: {  	[hbm4b:s2+s4] =	stream.indirect.scatter [tilespmem:s8], [sflag:$0x2], $0x40, s15, s4, $0xb8;
	[tilespmem:$0x5C00] =	vst v63  }
0x31b: {  	_ =	swait.ge [sflag:s5], $0x2000  }
0x31c: {  	[sflag:s5] =	ssyncset.done $0x0  }
0x31d: {  	[sflag:s5] =	ssyncadd.s32 $0xFFFFE000  }
0x31e: {  	[tilespmem:s7], [sflag:$0x1] =	stream.indirect.gather [hbm4b:s3+s4], $0x40, s16, s4, $0xb8;
	[tilespmem:$0x5C00] =	vst v63  }
0x31f: {  	_ =	swait.ge [sflag:s6], $0x2000  }
0x320: {  	[sflag:s6] =	ssyncset.done $0x0  }
0x321: {  	[sflag:s6] =	ssyncadd.s32 $0xFFFFE000  }
0x322: {  	[hbm4b:s2+s4] =	stream.indirect.scatter [tilespmem:s7], [sflag:$0x2], $0x40, s14, s4, $0xb8;
	[tilespmem:$0x5C00] =	vst v63  }
0x323: {  	_ =	swait.ge [sflag:s5], $0x2000  }
0x324: {  	[sflag:s5] =	ssyncset.done $0x0  }
0x325: {  	[sflag:s5] =	ssyncadd.s32 $0xFFFFE000  }
0x326: {  	[tilespmem:s8], [sflag:$0x1] =	stream.indirect.gather [hbm4b:s3+s4], $0x40, s13, s4, $0xb8;
	[tilespmem:$0x5C00] =	vst v63  }
0x327: {  	_ =	swait.ge [sflag:s6], $0x2000  }
0x328: {  	[sflag:s6] =	ssyncset.done $0x0  }
0x329: {  	[sflag:s6] =	ssyncadd.s32 $0xFFFFE000  }
0x32a: {  	[hbm4b:s2+s4] =	stream.indirect.scatter [tilespmem:s8], [sflag:$0x2], $0x40, s12, s4, $0xb8;
	[tilespmem:$0x5C00] =	vst v63  }
0x32b: {  	_ =	swait.ge [sflag:s5], $0x2000  }
0x32c: {  	[sflag:s5] =	ssyncset.done $0x0  }
0x32d: {  	[sflag:s5] =	ssyncadd.s32 $0xFFFFE000  }
0x32e: {  	[tilespmem:s7], [sflag:$0x1] =	stream.indirect.gather [hbm4b:s3+s4], $0x40, s11, s4, $0xb8;
	[tilespmem:$0x5C00] =	vst v63  }
0x32f: {  	_ =	swait.ge [sflag:s6], $0x2000  }
0x330: {  	[sflag:s6] =	ssyncset.done $0x0  }
0x331: {  	s31 =	simm.s32 $0x1B80;
	[sflag:s6] =	ssyncadd.s32 $0xFFFFE000  }
0x332: {  	[hbm4b:s2+s4] =	stream.indirect.scatter [tilespmem:s7], [sflag:$0x2], $0x40, s31, s4, $0xb8;
	[tilespmem:$0x5C00] =	vst v63  }
0x333: {  	_ =	swait.ge [sflag:s5], $0x2000  }
0x334: {  	[sflag:s5] =	ssyncset.done $0x0  }
0x335: {  	[sflag:s5] =	ssyncadd.s32 $0xFFFFE000  }
0x336: {  	_ =	swait.ge [sflag:s5], $0x2000  }
0x337: {  	[sflag:s5] =	ssyncset.done $0x0  }
0x338: {  	[sflag:s5] =	ssyncadd.s32 $0xFFFFE000  }
0x339: {  	_ =	sfence.sel $0x180000  }
0x33a: {  	[bflag:$0x0] =	sbarrier.arrive $0xFFFF  }
0x33b: {  	_ =	strace $0x90000047  }
0x33c: {  	[bflag:$0x2] =	sbarrier.arrive $0xFFFF  }
0x33d: {  	p0 =	sne.s32 s9, $0x0;
	s0 =	rddreg [dreg:$0x5]  }
0x33e: {  	s0 =	sadd.s32 @!p0 $0x100000, s0  }
0x33f: {  	[sflag:s0] =	ssyncadd.tile.s32 @!p0 $0x1;
	_ =	shalt  }
.LBB2_1:
0x340: {  	s10 =	simm.s32 $0xA00  }
.Ltmp3:
0x341: {  	s24 =	simm.s32 $0x1800;
	s23 =	simm.s32 $0xA80;
	(pc) =	sbr.rel .LBB2_6-.Ltmp3, $4  }
0x342: {  	s22 =	simm.s32 $0x1880;
	s21 =	simm.s32 $0xB00;
	s20 =	simm.s32 $0x1900  }
0x343: {  	s19 =	simm.s32 $0xB80;
	s18 =	simm.s32 $0x1980;
	s17 =	simm.s32 $0xC00  }
0x344: {  	s16 =	simm.s32 $0xC80;
	s15 =	simm.s32 $0x1A00;
	s14 =	simm.s32 $0x1A80  }
0x345: {  	s13 =	simm.s32 $0xD00;
	s12 =	simm.s32 $0x1B00;
	s11 =	simm.s32 $0xD80  }
.LBB2_3:
0x346: {  	s10 =	simm.s32 $0xA00;
	s24 =	simm.s32 $0x1800  }
.Ltmp4:
0x347: {  	s23 =	simm.s32 $0xA80;
	s22 =	simm.s32 $0x1880;
	(pc) =	sbr.rel .LBB2_6-.Ltmp4, $4  }
0x348: {  	s21 =	simm.s32 $0xB00;
	s20 =	simm.s32 $0x1900;
	s19 =	simm.s32 $0xB80  }
0x349: {  	s18 =	simm.s32 $0x1980;
	s17 =	simm.s32 $0xC00;
	s16 =	simm.s32 $0xC80  }
0x34a: {  	s15 =	simm.s32 $0x1A00;
	s14 =	simm.s32 $0x1A80;
	s13 =	simm.s32 $0xD00  }
0x34b: {  	s12 =	simm.s32 $0x1B00;
	s11 =	simm.s32 $0xD80;
	s9 =	stileid.u32  }
.Lfunc_end2:
_tile_overlayer_lowered:
.L_overlay_start_2:
0x34c: {  	(tag) =	ssettag $0x2  }
0x34d: {  	s0 =	rddreg [dreg:$0x0];
	s2 =	stileid.u32  }
0x34e: {  	s1 =	rddreg [dreg:$0x1];
	p0 =	sne.s32 s2, $0x0  }
0x34f: {  	s3 =	rddreg [dreg:$0x2];
	[bflag:$0x3] =	sbarrier.arrive $0xFFFF;
	s2 =	simm.s32 @!p0 $0x1C03  }
0x350: {  	[timem:s3], [sflag:s2] =	dma.local @!p0 [hbm:s0], s1  }
0x351: {  	s0 =	simm.s32 @!p0 $0x3  }
0x352: {  	_ =	swait.ge @!p0 [sflag:s0], s1  }
0x353: {  	s1 =	ssub.s32 @!p0 $0x0, s1;
	[sflag:s0] =	ssyncset.done @!p0 $0x0  }
0x354: {  	[sflag:s0] =	ssyncadd.s32 @!p0 s1  }
0x355: {  	[bflag:$0x3] =	sbarrier.arrive $0xFFFF  }
0x356: {  	_ =	shalt  }

</sc_bundles>
